<compile_context>
chip_gen: v7x
topology: tpu7x:2x2x1
jax: 0.10.2.dev20260603
libtpu: 0.0.44.dev20260713+nightly
codegen_flags: <defaults>
</compile_context>

<pallas_src>
import functools

import jax
import jax.numpy as jnp
from jax import lax
from jax.experimental import pallas as pl
from jax.experimental.pallas import tpu as pltpu
from jax.experimental.pallas import tpu_sc as plsc

VOCAB = 1000000
EMB = 32
NPOS = 512
PDIM = 32
B, L = 1024, 200

T = B * L
NC, NS = 2, 16
NW = NC * NS
TPW = T // NW
SEQ_PER_W = TPW // L
IPS = 128
CPT = 1280
SPC = CPT // IPS
NCHUNK = TPW // CPT


def _body(ids_hbm, word_hbm, pos_hbm, out_hbm, idx_v, rows_v, pos_v, sem):
    c = lax.axis_index("c")
    s = lax.axis_index("s")
    wid = s * NC + c
    base = wid * TPW

    pltpu.sync_copy(ids_hbm.at[wid], idx_v)

    pltpu.sync_copy(pos_hbm.at[pl.ds(0, L)], pos_v)

    def pos_seq(i, carry):
        tok0 = base + i * L
        pltpu.sync_copy(pos_v, out_hbm.at[pl.ds(tok0, L), 1])
        return carry

    lax.fori_loop(0, SEQ_PER_W, pos_seq, 0)

    def word_chunk(g, carry):
        tok0 = base + g * CPT
        cps = [
            pltpu.async_copy(
                word_hbm.at[idx_v.at[g * SPC + j]],
                rows_v.at[pl.ds(j * IPS, IPS)],
                sem,
            )
            for j in range(SPC)
        ]
        for cp in cps:
            cp.wait()
        pltpu.sync_copy(rows_v, out_hbm.at[pl.ds(tok0, CPT), 0])
        return carry

    lax.fori_loop(0, NCHUNK, word_chunk, 0)


@jax.jit
def kernel(input_ids, word_table, pos_table):
    ids2 = input_ids.astype(jnp.int32).reshape(NW, TPW // IPS, IPS)
    mesh = plsc.VectorSubcoreMesh(
        core_axis_name="c", subcore_axis_name="s", num_cores=NC, num_subcores=NS
    )
    out = pl.kernel(
        _body,
        out_type=jax.ShapeDtypeStruct((T, 2, EMB), jnp.float32),
        mesh=mesh,
        compiler_params=pltpu.CompilerParams(use_tc_tiling_on_sc=False),
        scratch_types=[
            pltpu.VMEM((TPW // IPS, IPS), jnp.int32),
            pltpu.VMEM((CPT, EMB), jnp.float32),
            pltpu.VMEM((L, PDIM), jnp.float32),
            pltpu.SemaphoreType.DMA,
        ],
    )(ids2, word_table, pos_table)
    return out.reshape(B, L, 2 * EMB)

# --- scband reference (transcript-rebuilt; emitter-appended) ---
"""Pipeline reference for scband-word-embedding-17437567222173 (READ-ONLY COPY).

The authoritative reference and input builder live on the scoring server;
editing this copy changes nothing except your own understanding.
"""

import jax, jax.numpy as jnp
import numpy as np

VOCAB = 1000000
EMB = 32
NPOS = 512
PDIM = 32
B, L = 1024, 200


def setup_inputs(seed: int = 0) -> dict:
    key = jax.random.key(seed)
    k1, k2, k3 = jax.random.split(key, 3)
    input_ids = jax.random.randint(k1, (B, L), 0, VOCAB)
    word_table = jax.random.normal(k2, (VOCAB, EMB), dtype=jnp.float32) * 0.02
    pos_table = jax.random.normal(k3, (NPOS, PDIM), dtype=jnp.float32) * 0.02
    return {"input_ids": input_ids, "word_table": word_table, "pos_table": pos_table}


def reference(input_ids, word_table, pos_table):
    # position_ids = self.position_ids[:, :seq_length].expand(batch, seq)
    b, l = input_ids.shape
    position_ids = jnp.arange(l, dtype=jnp.int32)
    # word embedding lookup (gather)
    inputs_embeds = jnp.take(word_table, input_ids, axis=0)          # [B, L, EMB]
    # position embedding lookup (gather), broadcast over batch
    position_embeds = jnp.take(pos_table, position_ids, axis=0)      # [L, PDIM]
    position_embeds = jnp.broadcast_to(position_embeds[None, :, :], (b, l, position_embeds.shape[-1]))
    # concatenate word and position embeddings along feature dim
    embeds = jnp.concatenate([inputs_embeds, position_embeds], axis=-1)  # [B, L, EMB+PDIM]
    # has_type_embeddings=False, dropout_after_wordvec=False -> identity
    return embeds

if __name__ == "__main__":
    import jax
    _d = setup_inputs()
    print(jax.jit(kernel)(*tuple(_d.values())))

</pallas_src>

<mosaic_0001>
#map = affine_map<(d0, d1) -> (0, 0, 0)>
#map1 = affine_map<(d0, d1) -> (0, 0)>
module attributes {stable_mosaic.version = 14 : i64} {
  func.func @_body(%arg0: i32, %arg1: i32, %arg2: memref<32x50x128xi32, #tpu.memory_space<hbm>>, %arg3: memref<1000000x32xf32, #tpu.memory_space<hbm>>, %arg4: memref<512x32xf32, #tpu.memory_space<hbm>>, %arg5: memref<204800x2x32xf32, #tpu.memory_space<hbm>>, %arg6: memref<50x128xi32, #tpu.memory_space<vmem>>, %arg7: memref<1280x32xf32, #tpu.memory_space<vmem>>, %arg8: memref<200x32xf32, #tpu.memory_space<vmem>>, %arg9: memref<!tpu.dma_semaphore, #tpu.memory_space<semaphore_mem>>) attributes {dimension_semantics = [#tpu.dimension_semantics<core_parallel>, #tpu.dimension_semantics<subcore_parallel>], iteration_bounds = array<i64: 2, 16>, scalar_prefetch = 0 : i64, scratch_operands = 4 : i64, tpu.core_type = #tpu.core_type<sc_vector_subcore>, window_params = [{transform_indices = #map}, {transform_indices = #map1}, {transform_indices = #map1}, {transform_indices = #map}]} {
    %mul3A = arith.constant 2 : i32
    %mul3A_0 = arith.muli %arg1, %mul3A : i32
    %add3A = arith.addi %mul3A_0, %arg0 : i32
    %mul3A_1 = arith.constant 6400 : i32
    %mul3A_2 = arith.muli %add3A, %mul3A_1 : i32
    "tpu.region"() ({
      %run_scoped3A = tpu.sem_alloc : memref<!tpu.dma_semaphore, #tpu.memory_space<semaphore_mem>>
      %dma_start3A = arith.constant 0 : i32
      %dma_start3A_14 = arith.constant 0 : i32
      %dma_start3A_15 = tpu.memref_slice %arg2[%add3A, %dma_start3A, %dma_start3A_14] : memref<32x50x128xi32, #tpu.memory_space<hbm>> -> memref<1x50x128xi32, #tpu.memory_space<hbm>>
      %dma_start3A_16 = tpu.memref_squeeze %dma_start3A_15 : memref<1x50x128xi32, #tpu.memory_space<hbm>> -> memref<50x128xi32, #tpu.memory_space<hbm>>
      %dma_start3A_17 = arith.constant 0 : i32
      %dma_start3A_18 = arith.constant 0 : i32
      %dma_start3A_19 = tpu.memref_slice %arg2[%add3A, %dma_start3A_17, %dma_start3A_18] : memref<32x50x128xi32, #tpu.memory_space<hbm>> -> memref<1x50x128xi32, #tpu.memory_space<hbm>>
      %dma_start3A_20 = tpu.memref_squeeze %dma_start3A_19 : memref<1x50x128xi32, #tpu.memory_space<hbm>> -> memref<50x128xi32, #tpu.memory_space<hbm>>
      tpu.enqueue_dma source(%dma_start3A_20 : memref<50x128xi32, #tpu.memory_space<hbm>>) target(%arg6 : memref<50x128xi32, #tpu.memory_space<vmem>>) target_semaphore(%run_scoped3A : memref<!tpu.dma_semaphore, #tpu.memory_space<semaphore_mem>>)
      %dma_wait3A = arith.constant 0 : i32
      %dma_wait3A_21 = arith.constant 0 : i32
      %dma_wait3A_22 = tpu.memref_slice %arg2[%add3A, %dma_wait3A, %dma_wait3A_21] : memref<32x50x128xi32, #tpu.memory_space<hbm>> -> memref<1x50x128xi32, #tpu.memory_space<hbm>>
      %dma_wait3A_23 = tpu.memref_squeeze %dma_wait3A_22 : memref<1x50x128xi32, #tpu.memory_space<hbm>> -> memref<50x128xi32, #tpu.memory_space<hbm>>
      %dma_wait3A_24 = arith.constant 0 : i32
      %dma_wait3A_25 = arith.constant 0 : i32
      %dma_wait3A_26 = tpu.memref_slice %arg2[%add3A, %dma_wait3A_24, %dma_wait3A_25] : memref<32x50x128xi32, #tpu.memory_space<hbm>> -> memref<1x50x128xi32, #tpu.memory_space<hbm>>
      %dma_wait3A_27 = tpu.memref_squeeze %dma_wait3A_26 : memref<1x50x128xi32, #tpu.memory_space<hbm>> -> memref<50x128xi32, #tpu.memory_space<hbm>>
      tpu.wait_dma2 semaphore(%run_scoped3A : memref<!tpu.dma_semaphore, #tpu.memory_space<semaphore_mem>>) src(%dma_wait3A_27 : memref<50x128xi32, #tpu.memory_space<hbm>>) dst(%arg6 : memref<50x128xi32, #tpu.memory_space<vmem>>)
      tpu.yield
    }) : () -> ()
    "tpu.region"() ({
      %run_scoped3A = tpu.sem_alloc : memref<!tpu.dma_semaphore, #tpu.memory_space<semaphore_mem>>
      %dma_start3A = arith.constant 0 : i32
      %dma_start3A_14 = arith.constant 0 : i32
      %dma_start3A_15 = tpu.memref_slice %arg4[%dma_start3A, %dma_start3A_14] : memref<512x32xf32, #tpu.memory_space<hbm>> -> memref<200x32xf32, #tpu.memory_space<hbm>>
      %dma_start3A_16 = arith.constant 0 : i32
      %dma_start3A_17 = arith.constant 0 : i32
      %dma_start3A_18 = tpu.memref_slice %arg4[%dma_start3A_16, %dma_start3A_17] : memref<512x32xf32, #tpu.memory_space<hbm>> -> memref<200x32xf32, #tpu.memory_space<hbm>>
      tpu.enqueue_dma source(%dma_start3A_18 : memref<200x32xf32, #tpu.memory_space<hbm>>) target(%arg8 : memref<200x32xf32, #tpu.memory_space<vmem>>) target_semaphore(%run_scoped3A : memref<!tpu.dma_semaphore, #tpu.memory_space<semaphore_mem>>)
      %dma_wait3A = arith.constant 0 : i32
      %dma_wait3A_19 = arith.constant 0 : i32
      %dma_wait3A_20 = tpu.memref_slice %arg4[%dma_wait3A, %dma_wait3A_19] : memref<512x32xf32, #tpu.memory_space<hbm>> -> memref<200x32xf32, #tpu.memory_space<hbm>>
      %dma_wait3A_21 = arith.constant 0 : i32
      %dma_wait3A_22 = arith.constant 0 : i32
      %dma_wait3A_23 = tpu.memref_slice %arg4[%dma_wait3A_21, %dma_wait3A_22] : memref<512x32xf32, #tpu.memory_space<hbm>> -> memref<200x32xf32, #tpu.memory_space<hbm>>
      tpu.wait_dma2 semaphore(%run_scoped3A : memref<!tpu.dma_semaphore, #tpu.memory_space<semaphore_mem>>) src(%dma_wait3A_23 : memref<200x32xf32, #tpu.memory_space<hbm>>) dst(%arg8 : memref<200x32xf32, #tpu.memory_space<vmem>>)
      tpu.yield
    }) : () -> ()
    %scan3A = arith.constant 0 : i32
    %scan3A_3 = arith.constant 0 : i32
    %scan3A_4 = arith.constant 32 : i32
    %scan3A_5 = arith.addi %scan3A_3, %scan3A_4 : i32
    %scan3A_6 = arith.constant 1 : i32
    scf.for %scan3A_14 = %scan3A_3 to %scan3A_5 step %scan3A_6  : i32 {
      %mul3A_15 = arith.constant 200 : i32
      %mul3A_16 = arith.muli %scan3A_14, %mul3A_15 : i32
      %add3A_17 = arith.addi %mul3A_2, %mul3A_16 : i32
      %run_scoped3A = arith.constant 1 : i32
      "tpu.region"() ({
        %run_scoped3A_18 = tpu.sem_alloc : memref<!tpu.dma_semaphore, #tpu.memory_space<semaphore_mem>>
        %dma_start3A = arith.constant 0 : i32
        %dma_start3A_19 = tpu.memref_slice %arg5[%add3A_17, %run_scoped3A, %dma_start3A] : memref<204800x2x32xf32, #tpu.memory_space<hbm>> -> memref<200x1x32xf32, #tpu.memory_space<hbm>>
        %dma_start3A_20 = tpu.memref_squeeze %dma_start3A_19 : memref<200x1x32xf32, #tpu.memory_space<hbm>> -> memref<200x32xf32, #tpu.memory_space<hbm>>
        %dma_start3A_21 = arith.constant 0 : i32
        %dma_start3A_22 = tpu.memref_slice %arg5[%add3A_17, %run_scoped3A, %dma_start3A_21] : memref<204800x2x32xf32, #tpu.memory_space<hbm>> -> memref<200x1x32xf32, #tpu.memory_space<hbm>>
        %dma_start3A_23 = tpu.memref_squeeze %dma_start3A_22 : memref<200x1x32xf32, #tpu.memory_space<hbm>> -> memref<200x32xf32, #tpu.memory_space<hbm>>
        tpu.enqueue_dma source(%arg8 : memref<200x32xf32, #tpu.memory_space<vmem>>) target(%dma_start3A_23 : memref<200x32xf32, #tpu.memory_space<hbm>>) target_semaphore(%run_scoped3A_18 : memref<!tpu.dma_semaphore, #tpu.memory_space<semaphore_mem>>)
        %dma_wait3A = arith.constant 0 : i32
        %dma_wait3A_24 = tpu.memref_slice %arg5[%add3A_17, %run_scoped3A, %dma_wait3A] : memref<204800x2x32xf32, #tpu.memory_space<hbm>> -> memref<200x1x32xf32, #tpu.memory_space<hbm>>
        %dma_wait3A_25 = tpu.memref_squeeze %dma_wait3A_24 : memref<200x1x32xf32, #tpu.memory_space<hbm>> -> memref<200x32xf32, #tpu.memory_space<hbm>>
        %dma_wait3A_26 = arith.constant 0 : i32
        %dma_wait3A_27 = tpu.memref_slice %arg5[%add3A_17, %run_scoped3A, %dma_wait3A_26] : memref<204800x2x32xf32, #tpu.memory_space<hbm>> -> memref<200x1x32xf32, #tpu.memory_space<hbm>>
        %dma_wait3A_28 = tpu.memref_squeeze %dma_wait3A_27 : memref<200x1x32xf32, #tpu.memory_space<hbm>> -> memref<200x32xf32, #tpu.memory_space<hbm>>
        tpu.wait_dma2 semaphore(%run_scoped3A_18 : memref<!tpu.dma_semaphore, #tpu.memory_space<semaphore_mem>>) src(%arg8 : memref<200x32xf32, #tpu.memory_space<vmem>>) dst(%dma_wait3A_28 : memref<200x32xf32, #tpu.memory_space<hbm>>)
        tpu.yield
      }) : () -> ()
    }
    %scan3A_7 = arith.constant 32 : i32
    %scan3A_8 = arith.constant 0 : i32
    %scan3A_9 = arith.constant 0 : i32
    %scan3A_10 = arith.constant 5 : i32
    %scan3A_11 = arith.addi %scan3A_9, %scan3A_10 : i32
    %scan3A_12 = arith.constant 1 : i32
    scf.for %scan3A_14 = %scan3A_9 to %scan3A_11 step %scan3A_12  : i32 {
      %mul3A_15 = arith.constant 1280 : i32
      %mul3A_16 = arith.muli %scan3A_14, %mul3A_15 : i32
      %add3A_17 = arith.addi %mul3A_2, %mul3A_16 : i32
      %mul3A_18 = arith.constant 10 : i32
      %mul3A_19 = arith.muli %scan3A_14, %mul3A_18 : i32
      %add3A_20 = arith.constant 0 : i32
      %add3A_21 = arith.addi %mul3A_19, %add3A_20 : i32
      %dma_start3A = arith.constant 0 : i32
      %dma_start3A_22 = arith.constant 0 : i32
      %dma_start3A_23 = tpu.memref_slice %arg7[%dma_start3A, %dma_start3A_22] : memref<1280x32xf32, #tpu.memory_space<vmem>> -> memref<128x32xf32, #tpu.memory_space<vmem>>
      %dma_start3A_24 = arith.constant 0 : i32
      %dma_start3A_25 = tpu.memref_slice %arg6[%add3A_21, %dma_start3A_24] : memref<50x128xi32, #tpu.memory_space<vmem>> -> memref<1x128xi32, #tpu.memory_space<vmem>>
      %dma_start3A_26 = tpu.memref_squeeze %dma_start3A_25 : memref<1x128xi32, #tpu.memory_space<vmem>> -> memref<128xi32, #tpu.memory_space<vmem>>
      %dma_start3A_27 = arith.constant 0 : i32
      %dma_start3A_28 = arith.constant 0 : i32
      %dma_start3A_29 = tpu.memref_slice %arg3[%dma_start3A_27, %dma_start3A_28] : memref<1000000x32xf32, #tpu.memory_space<hbm>> -> memref<1000000x32xf32, #tpu.memory_space<hbm>>
      tpu.enqueue_indirect_dma source(%dma_start3A_29 : memref<1000000x32xf32, #tpu.memory_space<hbm>>) target(%dma_start3A_23 : memref<128x32xf32, #tpu.memory_space<vmem>>) offsets(%dma_start3A_26 : memref<128xi32, #tpu.memory_space<vmem>>) semaphore(%arg9 : memref<!tpu.dma_semaphore, #tpu.memory_space<semaphore_mem>>)
      %mul3A_30 = arith.constant 10 : i32
      %mul3A_31 = arith.muli %scan3A_14, %mul3A_30 : i32
      %add3A_32 = arith.constant 1 : i32
      %add3A_33 = arith.addi %mul3A_31, %add3A_32 : i32
      %dma_start3A_34 = arith.constant 128 : i32
      %dma_start3A_35 = arith.constant 0 : i32
      %dma_start3A_36 = tpu.memref_slice %arg7[%dma_start3A_34, %dma_start3A_35] : memref<1280x32xf32, #tpu.memory_space<vmem>> -> memref<128x32xf32, #tpu.memory_space<vmem>>
      %dma_start3A_37 = arith.constant 0 : i32
      %dma_start3A_38 = tpu.memref_slice %arg6[%add3A_33, %dma_start3A_37] : memref<50x128xi32, #tpu.memory_space<vmem>> -> memref<1x128xi32, #tpu.memory_space<vmem>>
      %dma_start3A_39 = tpu.memref_squeeze %dma_start3A_38 : memref<1x128xi32, #tpu.memory_space<vmem>> -> memref<128xi32, #tpu.memory_space<vmem>>
      %dma_start3A_40 = arith.constant 0 : i32
      %dma_start3A_41 = arith.constant 0 : i32
      %dma_start3A_42 = tpu.memref_slice %arg3[%dma_start3A_40, %dma_start3A_41] : memref<1000000x32xf32, #tpu.memory_space<hbm>> -> memref<1000000x32xf32, #tpu.memory_space<hbm>>
      tpu.enqueue_indirect_dma source(%dma_start3A_42 : memref<1000000x32xf32, #tpu.memory_space<hbm>>) target(%dma_start3A_36 : memref<128x32xf32, #tpu.memory_space<vmem>>) offsets(%dma_start3A_39 : memref<128xi32, #tpu.memory_space<vmem>>) semaphore(%arg9 : memref<!tpu.dma_semaphore, #tpu.memory_space<semaphore_mem>>)
      %mul3A_43 = arith.constant 10 : i32
      %mul3A_44 = arith.muli %scan3A_14, %mul3A_43 : i32
      %add3A_45 = arith.constant 2 : i32
      %add3A_46 = arith.addi %mul3A_44, %add3A_45 : i32
      %dma_start3A_47 = arith.constant 256 : i32
      %dma_start3A_48 = arith.constant 0 : i32
      %dma_start3A_49 = tpu.memref_slice %arg7[%dma_start3A_47, %dma_start3A_48] : memref<1280x32xf32, #tpu.memory_space<vmem>> -> memref<128x32xf32, #tpu.memory_space<vmem>>
      %dma_start3A_50 = arith.constant 0 : i32
      %dma_start3A_51 = tpu.memref_slice %arg6[%add3A_46, %dma_start3A_50] : memref<50x128xi32, #tpu.memory_space<vmem>> -> memref<1x128xi32, #tpu.memory_space<vmem>>
      %dma_start3A_52 = tpu.memref_squeeze %dma_start3A_51 : memref<1x128xi32, #tpu.memory_space<vmem>> -> memref<128xi32, #tpu.memory_space<vmem>>
      %dma_start3A_53 = arith.constant 0 : i32
      %dma_start3A_54 = arith.constant 0 : i32
      %dma_start3A_55 = tpu.memref_slice %arg3[%dma_start3A_53, %dma_start3A_54] : memref<1000000x32xf32, #tpu.memory_space<hbm>> -> memref<1000000x32xf32, #tpu.memory_space<hbm>>
      tpu.enqueue_indirect_dma source(%dma_start3A_55 : memref<1000000x32xf32, #tpu.memory_space<hbm>>) target(%dma_start3A_49 : memref<128x32xf32, #tpu.memory_space<vmem>>) offsets(%dma_start3A_52 : memref<128xi32, #tpu.memory_space<vmem>>) semaphore(%arg9 : memref<!tpu.dma_semaphore, #tpu.memory_space<semaphore_mem>>)
      %mul3A_56 = arith.constant 10 : i32
      %mul3A_57 = arith.muli %scan3A_14, %mul3A_56 : i32
      %add3A_58 = arith.constant 3 : i32
      %add3A_59 = arith.addi %mul3A_57, %add3A_58 : i32
      %dma_start3A_60 = arith.constant 384 : i32
      %dma_start3A_61 = arith.constant 0 : i32
      %dma_start3A_62 = tpu.memref_slice %arg7[%dma_start3A_60, %dma_start3A_61] : memref<1280x32xf32, #tpu.memory_space<vmem>> -> memref<128x32xf32, #tpu.memory_space<vmem>>
      %dma_start3A_63 = arith.constant 0 : i32
      %dma_start3A_64 = tpu.memref_slice %arg6[%add3A_59, %dma_start3A_63] : memref<50x128xi32, #tpu.memory_space<vmem>> -> memref<1x128xi32, #tpu.memory_space<vmem>>
      %dma_start3A_65 = tpu.memref_squeeze %dma_start3A_64 : memref<1x128xi32, #tpu.memory_space<vmem>> -> memref<128xi32, #tpu.memory_space<vmem>>
      %dma_start3A_66 = arith.constant 0 : i32
      %dma_start3A_67 = arith.constant 0 : i32
      %dma_start3A_68 = tpu.memref_slice %arg3[%dma_start3A_66, %dma_start3A_67] : memref<1000000x32xf32, #tpu.memory_space<hbm>> -> memref<1000000x32xf32, #tpu.memory_space<hbm>>
      tpu.enqueue_indirect_dma source(%dma_start3A_68 : memref<1000000x32xf32, #tpu.memory_space<hbm>>) target(%dma_start3A_62 : memref<128x32xf32, #tpu.memory_space<vmem>>) offsets(%dma_start3A_65 : memref<128xi32, #tpu.memory_space<vmem>>) semaphore(%arg9 : memref<!tpu.dma_semaphore, #tpu.memory_space<semaphore_mem>>)
      %mul3A_69 = arith.constant 10 : i32
      %mul3A_70 = arith.muli %scan3A_14, %mul3A_69 : i32
      %add3A_71 = arith.constant 4 : i32
      %add3A_72 = arith.addi %mul3A_70, %add3A_71 : i32
      %dma_start3A_73 = arith.constant 512 : i32
      %dma_start3A_74 = arith.constant 0 : i32
      %dma_start3A_75 = tpu.memref_slice %arg7[%dma_start3A_73, %dma_start3A_74] : memref<1280x32xf32, #tpu.memory_space<vmem>> -> memref<128x32xf32, #tpu.memory_space<vmem>>
      %dma_start3A_76 = arith.constant 0 : i32
      %dma_start3A_77 = tpu.memref_slice %arg6[%add3A_72, %dma_start3A_76] : memref<50x128xi32, #tpu.memory_space<vmem>> -> memref<1x128xi32, #tpu.memory_space<vmem>>
      %dma_start3A_78 = tpu.memref_squeeze %dma_start3A_77 : memref<1x128xi32, #tpu.memory_space<vmem>> -> memref<128xi32, #tpu.memory_space<vmem>>
      %dma_start3A_79 = arith.constant 0 : i32
      %dma_start3A_80 = arith.constant 0 : i32
      %dma_start3A_81 = tpu.memref_slice %arg3[%dma_start3A_79, %dma_start3A_80] : memref<1000000x32xf32, #tpu.memory_space<hbm>> -> memref<1000000x32xf32, #tpu.memory_space<hbm>>
      tpu.enqueue_indirect_dma source(%dma_start3A_81 : memref<1000000x32xf32, #tpu.memory_space<hbm>>) target(%dma_start3A_75 : memref<128x32xf32, #tpu.memory_space<vmem>>) offsets(%dma_start3A_78 : memref<128xi32, #tpu.memory_space<vmem>>) semaphore(%arg9 : memref<!tpu.dma_semaphore, #tpu.memory_space<semaphore_mem>>)
      %mul3A_82 = arith.constant 10 : i32
      %mul3A_83 = arith.muli %scan3A_14, %mul3A_82 : i32
      %add3A_84 = arith.constant 5 : i32
      %add3A_85 = arith.addi %mul3A_83, %add3A_84 : i32
      %dma_start3A_86 = arith.constant 640 : i32
      %dma_start3A_87 = arith.constant 0 : i32
      %dma_start3A_88 = tpu.memref_slice %arg7[%dma_start3A_86, %dma_start3A_87] : memref<1280x32xf32, #tpu.memory_space<vmem>> -> memref<128x32xf32, #tpu.memory_space<vmem>>
      %dma_start3A_89 = arith.constant 0 : i32
      %dma_start3A_90 = tpu.memref_slice %arg6[%add3A_85, %dma_start3A_89] : memref<50x128xi32, #tpu.memory_space<vmem>> -> memref<1x128xi32, #tpu.memory_space<vmem>>
      %dma_start3A_91 = tpu.memref_squeeze %dma_start3A_90 : memref<1x128xi32, #tpu.memory_space<vmem>> -> memref<128xi32, #tpu.memory_space<vmem>>
      %dma_start3A_92 = arith.constant 0 : i32
      %dma_start3A_93 = arith.constant 0 : i32
      %dma_start3A_94 = tpu.memref_slice %arg3[%dma_start3A_92, %dma_start3A_93] : memref<1000000x32xf32, #tpu.memory_space<hbm>> -> memref<1000000x32xf32, #tpu.memory_space<hbm>>
      tpu.enqueue_indirect_dma source(%dma_start3A_94 : memref<1000000x32xf32, #tpu.memory_space<hbm>>) target(%dma_start3A_88 : memref<128x32xf32, #tpu.memory_space<vmem>>) offsets(%dma_start3A_91 : memref<128xi32, #tpu.memory_space<vmem>>) semaphore(%arg9 : memref<!tpu.dma_semaphore, #tpu.memory_space<semaphore_mem>>)
      %mul3A_95 = arith.constant 10 : i32
      %mul3A_96 = arith.muli %scan3A_14, %mul3A_95 : i32
      %add3A_97 = arith.constant 6 : i32
      %add3A_98 = arith.addi %mul3A_96, %add3A_97 : i32
      %dma_start3A_99 = arith.constant 768 : i32
      %dma_start3A_100 = arith.constant 0 : i32
      %dma_start3A_101 = tpu.memref_slice %arg7[%dma_start3A_99, %dma_start3A_100] : memref<1280x32xf32, #tpu.memory_space<vmem>> -> memref<128x32xf32, #tpu.memory_space<vmem>>
      %dma_start3A_102 = arith.constant 0 : i32
      %dma_start3A_103 = tpu.memref_slice %arg6[%add3A_98, %dma_start3A_102] : memref<50x128xi32, #tpu.memory_space<vmem>> -> memref<1x128xi32, #tpu.memory_space<vmem>>
      %dma_start3A_104 = tpu.memref_squeeze %dma_start3A_103 : memref<1x128xi32, #tpu.memory_space<vmem>> -> memref<128xi32, #tpu.memory_space<vmem>>
      %dma_start3A_105 = arith.constant 0 : i32
      %dma_start3A_106 = arith.constant 0 : i32
      %dma_start3A_107 = tpu.memref_slice %arg3[%dma_start3A_105, %dma_start3A_106] : memref<1000000x32xf32, #tpu.memory_space<hbm>> -> memref<1000000x32xf32, #tpu.memory_space<hbm>>
      tpu.enqueue_indirect_dma source(%dma_start3A_107 : memref<1000000x32xf32, #tpu.memory_space<hbm>>) target(%dma_start3A_101 : memref<128x32xf32, #tpu.memory_space<vmem>>) offsets(%dma_start3A_104 : memref<128xi32, #tpu.memory_space<vmem>>) semaphore(%arg9 : memref<!tpu.dma_semaphore, #tpu.memory_space<semaphore_mem>>)
      %mul3A_108 = arith.constant 10 : i32
      %mul3A_109 = arith.muli %scan3A_14, %mul3A_108 : i32
      %add3A_110 = arith.constant 7 : i32
      %add3A_111 = arith.addi %mul3A_109, %add3A_110 : i32
      %dma_start3A_112 = arith.constant 896 : i32
      %dma_start3A_113 = arith.constant 0 : i32
      %dma_start3A_114 = tpu.memref_slice %arg7[%dma_start3A_112, %dma_start3A_113] : memref<1280x32xf32, #tpu.memory_space<vmem>> -> memref<128x32xf32, #tpu.memory_space<vmem>>
      %dma_start3A_115 = arith.constant 0 : i32
      %dma_start3A_116 = tpu.memref_slice %arg6[%add3A_111, %dma_start3A_115] : memref<50x128xi32, #tpu.memory_space<vmem>> -> memref<1x128xi32, #tpu.memory_space<vmem>>
      %dma_start3A_117 = tpu.memref_squeeze %dma_start3A_116 : memref<1x128xi32, #tpu.memory_space<vmem>> -> memref<128xi32, #tpu.memory_space<vmem>>
      %dma_start3A_118 = arith.constant 0 : i32
      %dma_start3A_119 = arith.constant 0 : i32
      %dma_start3A_120 = tpu.memref_slice %arg3[%dma_start3A_118, %dma_start3A_119] : memref<1000000x32xf32, #tpu.memory_space<hbm>> -> memref<1000000x32xf32, #tpu.memory_space<hbm>>
      tpu.enqueue_indirect_dma source(%dma_start3A_120 : memref<1000000x32xf32, #tpu.memory_space<hbm>>) target(%dma_start3A_114 : memref<128x32xf32, #tpu.memory_space<vmem>>) offsets(%dma_start3A_117 : memref<128xi32, #tpu.memory_space<vmem>>) semaphore(%arg9 : memref<!tpu.dma_semaphore, #tpu.memory_space<semaphore_mem>>)
      %mul3A_121 = arith.constant 10 : i32
      %mul3A_122 = arith.muli %scan3A_14, %mul3A_121 : i32
      %add3A_123 = arith.constant 8 : i32
      %add3A_124 = arith.addi %mul3A_122, %add3A_123 : i32
      %dma_start3A_125 = arith.constant 1024 : i32
      %dma_start3A_126 = arith.constant 0 : i32
      %dma_start3A_127 = tpu.memref_slice %arg7[%dma_start3A_125, %dma_start3A_126] : memref<1280x32xf32, #tpu.memory_space<vmem>> -> memref<128x32xf32, #tpu.memory_space<vmem>>
      %dma_start3A_128 = arith.constant 0 : i32
      %dma_start3A_129 = tpu.memref_slice %arg6[%add3A_124, %dma_start3A_128] : memref<50x128xi32, #tpu.memory_space<vmem>> -> memref<1x128xi32, #tpu.memory_space<vmem>>
      %dma_start3A_130 = tpu.memref_squeeze %dma_start3A_129 : memref<1x128xi32, #tpu.memory_space<vmem>> -> memref<128xi32, #tpu.memory_space<vmem>>
      %dma_start3A_131 = arith.constant 0 : i32
      %dma_start3A_132 = arith.constant 0 : i32
      %dma_start3A_133 = tpu.memref_slice %arg3[%dma_start3A_131, %dma_start3A_132] : memref<1000000x32xf32, #tpu.memory_space<hbm>> -> memref<1000000x32xf32, #tpu.memory_space<hbm>>
      tpu.enqueue_indirect_dma source(%dma_start3A_133 : memref<1000000x32xf32, #tpu.memory_space<hbm>>) target(%dma_start3A_127 : memref<128x32xf32, #tpu.memory_space<vmem>>) offsets(%dma_start3A_130 : memref<128xi32, #tpu.memory_space<vmem>>) semaphore(%arg9 : memref<!tpu.dma_semaphore, #tpu.memory_space<semaphore_mem>>)
      %mul3A_134 = arith.constant 10 : i32
      %mul3A_135 = arith.muli %scan3A_14, %mul3A_134 : i32
      %add3A_136 = arith.constant 9 : i32
      %add3A_137 = arith.addi %mul3A_135, %add3A_136 : i32
      %dma_start3A_138 = arith.constant 1152 : i32
      %dma_start3A_139 = arith.constant 0 : i32
      %dma_start3A_140 = tpu.memref_slice %arg7[%dma_start3A_138, %dma_start3A_139] : memref<1280x32xf32, #tpu.memory_space<vmem>> -> memref<128x32xf32, #tpu.memory_space<vmem>>
      %dma_start3A_141 = arith.constant 0 : i32
      %dma_start3A_142 = tpu.memref_slice %arg6[%add3A_137, %dma_start3A_141] : memref<50x128xi32, #tpu.memory_space<vmem>> -> memref<1x128xi32, #tpu.memory_space<vmem>>
      %dma_start3A_143 = tpu.memref_squeeze %dma_start3A_142 : memref<1x128xi32, #tpu.memory_space<vmem>> -> memref<128xi32, #tpu.memory_space<vmem>>
      %dma_start3A_144 = arith.constant 0 : i32
      %dma_start3A_145 = arith.constant 0 : i32
      %dma_start3A_146 = tpu.memref_slice %arg3[%dma_start3A_144, %dma_start3A_145] : memref<1000000x32xf32, #tpu.memory_space<hbm>> -> memref<1000000x32xf32, #tpu.memory_space<hbm>>
      tpu.enqueue_indirect_dma source(%dma_start3A_146 : memref<1000000x32xf32, #tpu.memory_space<hbm>>) target(%dma_start3A_140 : memref<128x32xf32, #tpu.memory_space<vmem>>) offsets(%dma_start3A_143 : memref<128xi32, #tpu.memory_space<vmem>>) semaphore(%arg9 : memref<!tpu.dma_semaphore, #tpu.memory_space<semaphore_mem>>)
      %dma_wait3A = arith.constant 0 : i32
      %dma_wait3A_147 = arith.constant 0 : i32
      %dma_wait3A_148 = tpu.memref_slice %arg7[%dma_wait3A, %dma_wait3A_147] : memref<1280x32xf32, #tpu.memory_space<vmem>> -> memref<128x32xf32, #tpu.memory_space<vmem>>
      %dma_wait3A_149 = arith.constant 0 : i32
      %dma_wait3A_150 = tpu.memref_slice %arg6[%add3A_21, %dma_wait3A_149] : memref<50x128xi32, #tpu.memory_space<vmem>> -> memref<1x128xi32, #tpu.memory_space<vmem>>
      %dma_wait3A_151 = tpu.memref_squeeze %dma_wait3A_150 : memref<1x128xi32, #tpu.memory_space<vmem>> -> memref<128xi32, #tpu.memory_space<vmem>>
      %dma_wait3A_152 = arith.constant 0 : i32
      %dma_wait3A_153 = arith.constant 0 : i32
      %dma_wait3A_154 = tpu.memref_slice %arg3[%dma_wait3A_152, %dma_wait3A_153] : memref<1000000x32xf32, #tpu.memory_space<hbm>> -> memref<1000000x32xf32, #tpu.memory_space<hbm>>
      tpu.wait_indirect_dma semaphore(%arg9 : memref<!tpu.dma_semaphore, #tpu.memory_space<semaphore_mem>>) src(%dma_wait3A_154 : memref<1000000x32xf32, #tpu.memory_space<hbm>>) dst(%dma_wait3A_148 : memref<128x32xf32, #tpu.memory_space<vmem>>)
      %dma_wait3A_155 = arith.constant 128 : i32
      %dma_wait3A_156 = arith.constant 0 : i32
      %dma_wait3A_157 = tpu.memref_slice %arg7[%dma_wait3A_155, %dma_wait3A_156] : memref<1280x32xf32, #tpu.memory_space<vmem>> -> memref<128x32xf32, #tpu.memory_space<vmem>>
      %dma_wait3A_158 = arith.constant 0 : i32
      %dma_wait3A_159 = tpu.memref_slice %arg6[%add3A_33, %dma_wait3A_158] : memref<50x128xi32, #tpu.memory_space<vmem>> -> memref<1x128xi32, #tpu.memory_space<vmem>>
      %dma_wait3A_160 = tpu.memref_squeeze %dma_wait3A_159 : memref<1x128xi32, #tpu.memory_space<vmem>> -> memref<128xi32, #tpu.memory_space<vmem>>
      %dma_wait3A_161 = arith.constant 0 : i32
      %dma_wait3A_162 = arith.constant 0 : i32
      %dma_wait3A_163 = tpu.memref_slice %arg3[%dma_wait3A_161, %dma_wait3A_162] : memref<1000000x32xf32, #tpu.memory_space<hbm>> -> memref<1000000x32xf32, #tpu.memory_space<hbm>>
      tpu.wait_indirect_dma semaphore(%arg9 : memref<!tpu.dma_semaphore, #tpu.memory_space<semaphore_mem>>) src(%dma_wait3A_163 : memref<1000000x32xf32, #tpu.memory_space<hbm>>) dst(%dma_wait3A_157 : memref<128x32xf32, #tpu.memory_space<vmem>>)
      %dma_wait3A_164 = arith.constant 256 : i32
      %dma_wait3A_165 = arith.constant 0 : i32
      %dma_wait3A_166 = tpu.memref_slice %arg7[%dma_wait3A_164, %dma_wait3A_165] : memref<1280x32xf32, #tpu.memory_space<vmem>> -> memref<128x32xf32, #tpu.memory_space<vmem>>
      %dma_wait3A_167 = arith.constant 0 : i32
      %dma_wait3A_168 = tpu.memref_slice %arg6[%add3A_46, %dma_wait3A_167] : memref<50x128xi32, #tpu.memory_space<vmem>> -> memref<1x128xi32, #tpu.memory_space<vmem>>
      %dma_wait3A_169 = tpu.memref_squeeze %dma_wait3A_168 : memref<1x128xi32, #tpu.memory_space<vmem>> -> memref<128xi32, #tpu.memory_space<vmem>>
      %dma_wait3A_170 = arith.constant 0 : i32
      %dma_wait3A_171 = arith.constant 0 : i32
      %dma_wait3A_172 = tpu.memref_slice %arg3[%dma_wait3A_170, %dma_wait3A_171] : memref<1000000x32xf32, #tpu.memory_space<hbm>> -> memref<1000000x32xf32, #tpu.memory_space<hbm>>
      tpu.wait_indirect_dma semaphore(%arg9 : memref<!tpu.dma_semaphore, #tpu.memory_space<semaphore_mem>>) src(%dma_wait3A_172 : memref<1000000x32xf32, #tpu.memory_space<hbm>>) dst(%dma_wait3A_166 : memref<128x32xf32, #tpu.memory_space<vmem>>)
      %dma_wait3A_173 = arith.constant 384 : i32
      %dma_wait3A_174 = arith.constant 0 : i32
      %dma_wait3A_175 = tpu.memref_slice %arg7[%dma_wait3A_173, %dma_wait3A_174] : memref<1280x32xf32, #tpu.memory_space<vmem>> -> memref<128x32xf32, #tpu.memory_space<vmem>>
      %dma_wait3A_176 = arith.constant 0 : i32
      %dma_wait3A_177 = tpu.memref_slice %arg6[%add3A_59, %dma_wait3A_176] : memref<50x128xi32, #tpu.memory_space<vmem>> -> memref<1x128xi32, #tpu.memory_space<vmem>>
      %dma_wait3A_178 = tpu.memref_squeeze %dma_wait3A_177 : memref<1x128xi32, #tpu.memory_space<vmem>> -> memref<128xi32, #tpu.memory_space<vmem>>
      %dma_wait3A_179 = arith.constant 0 : i32
      %dma_wait3A_180 = arith.constant 0 : i32
      %dma_wait3A_181 = tpu.memref_slice %arg3[%dma_wait3A_179, %dma_wait3A_180] : memref<1000000x32xf32, #tpu.memory_space<hbm>> -> memref<1000000x32xf32, #tpu.memory_space<hbm>>
      tpu.wait_indirect_dma semaphore(%arg9 : memref<!tpu.dma_semaphore, #tpu.memory_space<semaphore_mem>>) src(%dma_wait3A_181 : memref<1000000x32xf32, #tpu.memory_space<hbm>>) dst(%dma_wait3A_175 : memref<128x32xf32, #tpu.memory_space<vmem>>)
      %dma_wait3A_182 = arith.constant 512 : i32
      %dma_wait3A_183 = arith.constant 0 : i32
      %dma_wait3A_184 = tpu.memref_slice %arg7[%dma_wait3A_182, %dma_wait3A_183] : memref<1280x32xf32, #tpu.memory_space<vmem>> -> memref<128x32xf32, #tpu.memory_space<vmem>>
      %dma_wait3A_185 = arith.constant 0 : i32
      %dma_wait3A_186 = tpu.memref_slice %arg6[%add3A_72, %dma_wait3A_185] : memref<50x128xi32, #tpu.memory_space<vmem>> -> memref<1x128xi32, #tpu.memory_space<vmem>>
      %dma_wait3A_187 = tpu.memref_squeeze %dma_wait3A_186 : memref<1x128xi32, #tpu.memory_space<vmem>> -> memref<128xi32, #tpu.memory_space<vmem>>
      %dma_wait3A_188 = arith.constant 0 : i32
      %dma_wait3A_189 = arith.constant 0 : i32
      %dma_wait3A_190 = tpu.memref_slice %arg3[%dma_wait3A_188, %dma_wait3A_189] : memref<1000000x32xf32, #tpu.memory_space<hbm>> -> memref<1000000x32xf32, #tpu.memory_space<hbm>>
      tpu.wait_indirect_dma semaphore(%arg9 : memref<!tpu.dma_semaphore, #tpu.memory_space<semaphore_mem>>) src(%dma_wait3A_190 : memref<1000000x32xf32, #tpu.memory_space<hbm>>) dst(%dma_wait3A_184 : memref<128x32xf32, #tpu.memory_space<vmem>>)
      %dma_wait3A_191 = arith.constant 640 : i32
      %dma_wait3A_192 = arith.constant 0 : i32
      %dma_wait3A_193 = tpu.memref_slice %arg7[%dma_wait3A_191, %dma_wait3A_192] : memref<1280x32xf32, #tpu.memory_space<vmem>> -> memref<128x32xf32, #tpu.memory_space<vmem>>
      %dma_wait3A_194 = arith.constant 0 : i32
      %dma_wait3A_195 = tpu.memref_slice %arg6[%add3A_85, %dma_wait3A_194] : memref<50x128xi32, #tpu.memory_space<vmem>> -> memref<1x128xi32, #tpu.memory_space<vmem>>
      %dma_wait3A_196 = tpu.memref_squeeze %dma_wait3A_195 : memref<1x128xi32, #tpu.memory_space<vmem>> -> memref<128xi32, #tpu.memory_space<vmem>>
      %dma_wait3A_197 = arith.constant 0 : i32
      %dma_wait3A_198 = arith.constant 0 : i32
      %dma_wait3A_199 = tpu.memref_slice %arg3[%dma_wait3A_197, %dma_wait3A_198] : memref<1000000x32xf32, #tpu.memory_space<hbm>> -> memref<1000000x32xf32, #tpu.memory_space<hbm>>
      tpu.wait_indirect_dma semaphore(%arg9 : memref<!tpu.dma_semaphore, #tpu.memory_space<semaphore_mem>>) src(%dma_wait3A_199 : memref<1000000x32xf32, #tpu.memory_space<hbm>>) dst(%dma_wait3A_193 : memref<128x32xf32, #tpu.memory_space<vmem>>)
      %dma_wait3A_200 = arith.constant 768 : i32
      %dma_wait3A_201 = arith.constant 0 : i32
      %dma_wait3A_202 = tpu.memref_slice %arg7[%dma_wait3A_200, %dma_wait3A_201] : memref<1280x32xf32, #tpu.memory_space<vmem>> -> memref<128x32xf32, #tpu.memory_space<vmem>>
      %dma_wait3A_203 = arith.constant 0 : i32
      %dma_wait3A_204 = tpu.memref_slice %arg6[%add3A_98, %dma_wait3A_203] : memref<50x128xi32, #tpu.memory_space<vmem>> -> memref<1x128xi32, #tpu.memory_space<vmem>>
      %dma_wait3A_205 = tpu.memref_squeeze %dma_wait3A_204 : memref<1x128xi32, #tpu.memory_space<vmem>> -> memref<128xi32, #tpu.memory_space<vmem>>
      %dma_wait3A_206 = arith.constant 0 : i32
      %dma_wait3A_207 = arith.constant 0 : i32
      %dma_wait3A_208 = tpu.memref_slice %arg3[%dma_wait3A_206, %dma_wait3A_207] : memref<1000000x32xf32, #tpu.memory_space<hbm>> -> memref<1000000x32xf32, #tpu.memory_space<hbm>>
      tpu.wait_indirect_dma semaphore(%arg9 : memref<!tpu.dma_semaphore, #tpu.memory_space<semaphore_mem>>) src(%dma_wait3A_208 : memref<1000000x32xf32, #tpu.memory_space<hbm>>) dst(%dma_wait3A_202 : memref<128x32xf32, #tpu.memory_space<vmem>>)
      %dma_wait3A_209 = arith.constant 896 : i32
      %dma_wait3A_210 = arith.constant 0 : i32
      %dma_wait3A_211 = tpu.memref_slice %arg7[%dma_wait3A_209, %dma_wait3A_210] : memref<1280x32xf32, #tpu.memory_space<vmem>> -> memref<128x32xf32, #tpu.memory_space<vmem>>
      %dma_wait3A_212 = arith.constant 0 : i32
      %dma_wait3A_213 = tpu.memref_slice %arg6[%add3A_111, %dma_wait3A_212] : memref<50x128xi32, #tpu.memory_space<vmem>> -> memref<1x128xi32, #tpu.memory_space<vmem>>
      %dma_wait3A_214 = tpu.memref_squeeze %dma_wait3A_213 : memref<1x128xi32, #tpu.memory_space<vmem>> -> memref<128xi32, #tpu.memory_space<vmem>>
      %dma_wait3A_215 = arith.constant 0 : i32
      %dma_wait3A_216 = arith.constant 0 : i32
      %dma_wait3A_217 = tpu.memref_slice %arg3[%dma_wait3A_215, %dma_wait3A_216] : memref<1000000x32xf32, #tpu.memory_space<hbm>> -> memref<1000000x32xf32, #tpu.memory_space<hbm>>
      tpu.wait_indirect_dma semaphore(%arg9 : memref<!tpu.dma_semaphore, #tpu.memory_space<semaphore_mem>>) src(%dma_wait3A_217 : memref<1000000x32xf32, #tpu.memory_space<hbm>>) dst(%dma_wait3A_211 : memref<128x32xf32, #tpu.memory_space<vmem>>)
      %dma_wait3A_218 = arith.constant 1024 : i32
      %dma_wait3A_219 = arith.constant 0 : i32
      %dma_wait3A_220 = tpu.memref_slice %arg7[%dma_wait3A_218, %dma_wait3A_219] : memref<1280x32xf32, #tpu.memory_space<vmem>> -> memref<128x32xf32, #tpu.memory_space<vmem>>
      %dma_wait3A_221 = arith.constant 0 : i32
      %dma_wait3A_222 = tpu.memref_slice %arg6[%add3A_124, %dma_wait3A_221] : memref<50x128xi32, #tpu.memory_space<vmem>> -> memref<1x128xi32, #tpu.memory_space<vmem>>
      %dma_wait3A_223 = tpu.memref_squeeze %dma_wait3A_222 : memref<1x128xi32, #tpu.memory_space<vmem>> -> memref<128xi32, #tpu.memory_space<vmem>>
      %dma_wait3A_224 = arith.constant 0 : i32
      %dma_wait3A_225 = arith.constant 0 : i32
      %dma_wait3A_226 = tpu.memref_slice %arg3[%dma_wait3A_224, %dma_wait3A_225] : memref<1000000x32xf32, #tpu.memory_space<hbm>> -> memref<1000000x32xf32, #tpu.memory_space<hbm>>
      tpu.wait_indirect_dma semaphore(%arg9 : memref<!tpu.dma_semaphore, #tpu.memory_space<semaphore_mem>>) src(%dma_wait3A_226 : memref<1000000x32xf32, #tpu.memory_space<hbm>>) dst(%dma_wait3A_220 : memref<128x32xf32, #tpu.memory_space<vmem>>)
      %dma_wait3A_227 = arith.constant 1152 : i32
      %dma_wait3A_228 = arith.constant 0 : i32
      %dma_wait3A_229 = tpu.memref_slice %arg7[%dma_wait3A_227, %dma_wait3A_228] : memref<1280x32xf32, #tpu.memory_space<vmem>> -> memref<128x32xf32, #tpu.memory_space<vmem>>
      %dma_wait3A_230 = arith.constant 0 : i32
      %dma_wait3A_231 = tpu.memref_slice %arg6[%add3A_137, %dma_wait3A_230] : memref<50x128xi32, #tpu.memory_space<vmem>> -> memref<1x128xi32, #tpu.memory_space<vmem>>
      %dma_wait3A_232 = tpu.memref_squeeze %dma_wait3A_231 : memref<1x128xi32, #tpu.memory_space<vmem>> -> memref<128xi32, #tpu.memory_space<vmem>>
      %dma_wait3A_233 = arith.constant 0 : i32
      %dma_wait3A_234 = arith.constant 0 : i32
      %dma_wait3A_235 = tpu.memref_slice %arg3[%dma_wait3A_233, %dma_wait3A_234] : memref<1000000x32xf32, #tpu.memory_space<hbm>> -> memref<1000000x32xf32, #tpu.memory_space<hbm>>
      tpu.wait_indirect_dma semaphore(%arg9 : memref<!tpu.dma_semaphore, #tpu.memory_space<semaphore_mem>>) src(%dma_wait3A_235 : memref<1000000x32xf32, #tpu.memory_space<hbm>>) dst(%dma_wait3A_229 : memref<128x32xf32, #tpu.memory_space<vmem>>)
      %run_scoped3A = arith.constant 0 : i32
      "tpu.region"() ({
        %run_scoped3A_236 = tpu.sem_alloc : memref<!tpu.dma_semaphore, #tpu.memory_space<semaphore_mem>>
        %dma_start3A_237 = arith.constant 0 : i32
        %dma_start3A_238 = tpu.memref_slice %arg5[%add3A_17, %run_scoped3A, %dma_start3A_237] : memref<204800x2x32xf32, #tpu.memory_space<hbm>> -> memref<1280x1x32xf32, #tpu.memory_space<hbm>>
        %dma_start3A_239 = tpu.memref_squeeze %dma_start3A_238 : memref<1280x1x32xf32, #tpu.memory_space<hbm>> -> memref<1280x32xf32, #tpu.memory_space<hbm>>
        %dma_start3A_240 = arith.constant 0 : i32
        %dma_start3A_241 = tpu.memref_slice %arg5[%add3A_17, %run_scoped3A, %dma_start3A_240] : memref<204800x2x32xf32, #tpu.memory_space<hbm>> -> memref<1280x1x32xf32, #tpu.memory_space<hbm>>
        %dma_start3A_242 = tpu.memref_squeeze %dma_start3A_241 : memref<1280x1x32xf32, #tpu.memory_space<hbm>> -> memref<1280x32xf32, #tpu.memory_space<hbm>>
        tpu.enqueue_dma source(%arg7 : memref<1280x32xf32, #tpu.memory_space<vmem>>) target(%dma_start3A_242 : memref<1280x32xf32, #tpu.memory_space<hbm>>) target_semaphore(%run_scoped3A_236 : memref<!tpu.dma_semaphore, #tpu.memory_space<semaphore_mem>>)
        %dma_wait3A_243 = arith.constant 0 : i32
        %dma_wait3A_244 = tpu.memref_slice %arg5[%add3A_17, %run_scoped3A, %dma_wait3A_243] : memref<204800x2x32xf32, #tpu.memory_space<hbm>> -> memref<1280x1x32xf32, #tpu.memory_space<hbm>>
        %dma_wait3A_245 = tpu.memref_squeeze %dma_wait3A_244 : memref<1280x1x32xf32, #tpu.memory_space<hbm>> -> memref<1280x32xf32, #tpu.memory_space<hbm>>
        %dma_wait3A_246 = arith.constant 0 : i32
        %dma_wait3A_247 = tpu.memref_slice %arg5[%add3A_17, %run_scoped3A, %dma_wait3A_246] : memref<204800x2x32xf32, #tpu.memory_space<hbm>> -> memref<1280x1x32xf32, #tpu.memory_space<hbm>>
        %dma_wait3A_248 = tpu.memref_squeeze %dma_wait3A_247 : memref<1280x1x32xf32, #tpu.memory_space<hbm>> -> memref<1280x32xf32, #tpu.memory_space<hbm>>
        tpu.wait_dma2 semaphore(%run_scoped3A_236 : memref<!tpu.dma_semaphore, #tpu.memory_space<semaphore_mem>>) src(%arg7 : memref<1280x32xf32, #tpu.memory_space<vmem>>) dst(%dma_wait3A_248 : memref<1280x32xf32, #tpu.memory_space<hbm>>)
        tpu.yield
      }) : () -> ()
    }
    %scan3A_13 = arith.constant 5 : i32
    return
  }
}

</mosaic_0001>

<sc_bundles>
// kernel: kernel.3.cloned.1.call-start
scs
__scs_entry_jumppad:
0x0: {  	(pc) =	sbr.rel $0x88, $3  }
0x1: {  	(tag) =	ssettag $0x0;
	lr =	simm.s32 $0x1  }
0x2: {  	[smem:$0x3F9E] =	sst lr;
	_ =	strace $0xD0000000  }
0x3: {  	_ = 	snop  }
0x4: {  	_ = 	snop  }
0x5: {  	_ = 	snop  }
0x6: {  	_ = 	snop  }
0x7: {  	_ = 	snop  }
__scs_overlays_trampoline_lowered:
0x8: {  	[smem:$0x3FAD] =	sst s0  }
0x9: {  	[smem:$0x3FAE] =	sst s1  }
0xa: {  	[smem:$0x3FAF] =	sst s2  }
0xb: {  	[smem:$0x3FB0] =	sst s3  }
0xc: {  	[smem:$0x3FB1] =	sst s4  }
0xd: {  	[smem:$0x3FB2] =	sst s5  }
0xe: {  	[smem:$0x3FB3] =	sst s6  }
0xf: {  	[smem:$0x3FB4] =	sst s7  }
0x10: {  	[smem:$0x3FB5] =	sst s8  }
0x11: {  	[smem:$0x3FB6] =	sst s9;
	s0 =	simm.s32 @!p0 $0x0  }
0x12: {  	s1 =	sld [smem:$0x3F9C];
	s0 =	simm.s32 @p0 $0x1  }
0x13: {  	[smem:$0x3FB7] =	sst s0;
	s0 =	simm.s32 @!p1 $0x0  }
0x14: {  	s2 =	sld [smem:$0x3F9B];
	s0 =	simm.s32 @p1 $0x1  }
0x15: {  	[smem:$0x3FB8] =	sst s0;
	s0 =	simm.s32 @!p2 $0x0  }
0x16: {  	s3 =	sld [smem:$0x3FDB];
	s0 =	simm.s32 @p2 $0x1  }
0x17: {  	s4 =	simm.s32 $0x1BF5;
	[smem:$0x3FBA] =	sst s0  }
0x18: {  	s0 =	sld [smem:$0x3F9D];
	_ =	swait.ge [sflag:s4], $0x0  }
0x19: {  	s7 =	sld [smem:$0x3F9E]  }
0x1a: {  	s8 =	sadd.s32 $0xFFFFE003, lr  }
0x1b: {  	s9 =	sadd.s32 $0xFFFFFEF7, lr;
	s5 =	simm.s32 $0xFFFFFFFF;
	p2 =	slt.u32 s8, $0xFFFFF086  }
0x1c: {  	p1 =	slt.u32 s9, $0xF7A;
	s5 =	simm.s32 @!p2 $0x0  }
0x1d: {  	s5 =	simm.s32 @p1 $0x1;
	p0 =	seq.s32 s7, s2  }
0x1e: {  	s7 =	smul.u32 @!p0 $0xF7A, s2;
	p2 =	seq.s32 @!p0 s5, $0x0  }
0x1f: {  	s9 =	smul.u32 $0xF7A, s1;
	s8 =	simm.s32 @!p0 $0x1BF5;
	p2 =	por !p2, p0  }
0x20: {  	[sflag:s8] =	ssyncset.s32 @!p0 $0xFFFFF086;
	s6 =	sadd.s32 @!p0 s3, s7;
	s7 =	simm.s32 @!p0 $0x108  }
0x21: {  	s3 =	sadd.s32 s3, s9;
	s6 =	sadd.s32 @!p0 $0x88, s6;
	s7 =	simm.s32 @p2 $0x1082  }
0x22: {  	[simem:s7], [sflag:s8] =	dma.local @!p0 [hbm:s6], $0xF7A  }
0x23: {  	s9 =	sor.u32 $0xD0000000, s2;
	s6 =	simm.s32 $0x108;
	_ =	swait.ge @!p0 [sflag:s8], $0x0  }
0x24: {  	s3 =	sadd.s32 $0x88, s3;
	s6 =	simm.s32 @!p1 $0x1082;
	[sflag:s4] =	ssyncset.s32 $0xFFFFF086  }
0x25: {  	[simem:s6], [sflag:s4] =	dma.local [hbm:s3], $0xF7A  }
0x26: {  	[smem:$0x3F9E] =	sst s1;
	(tag) =	ssettag s2;
	_ =	strace s9  }
0x27: {  	s1 =	sld [smem:$0x3FAE]  }
0x28: {  	s2 =	sld [smem:$0x3FAF]  }
0x29: {  	s4 =	sld [smem:$0x3FB1]  }
0x2a: {  	p0 =	seq.s32 s5, $0x0;
	s5 =	sld [smem:$0x3FB2]  }
0x2b: {  	s6 =	sld [smem:$0x3FB3]  }
0x2c: {  	s7 =	sld [smem:$0x3FB4]  }
0x2d: {  	s3 =	simm.s32 $0x108;
	s8 =	sld [smem:$0x3FB5]  }
0x2e: {  	s3 =	simm.s32 @!p0 $0x1082;
	s9 =	sld [smem:$0x3FB6]  }
0x2f: {  	lr =	sadd.s32 s0, s3;
	s0 =	sld [smem:$0x3FAD]  }
0x30: {  	s3 =	sld [smem:$0x3FB0]  }
0x31: {  	[smem:$0x3FB9] =	sst s10  }
0x32: {  	s10 =	sld [smem:$0x3FB7];
	_ =	sdelay $0x3  }
0x33: {  	p0 =	seq.s32 s10, $0x1;
	s10 =	sld [smem:$0x3FB9];
	_ =	sdelay $0x3  }
0x34: {  	[smem:$0x3FB9] =	sst s10  }
0x35: {  	s10 =	sld [smem:$0x3FB8];
	_ =	sdelay $0x3  }
0x36: {  	p1 =	seq.s32 s10, $0x1;
	s10 =	sld [smem:$0x3FB9];
	_ =	sdelay $0x3  }
0x37: {  	[smem:$0x3FB9] =	sst s10  }
0x38: {  	s10 =	sld [smem:$0x3FBA]  }
0x39: {  	_ = 	snop;
	(pc) =	sbr.ind lr, $3  }
0x3a: {  	_ = 	snop  }
0x3b: {  	_ = 	snop  }
0x3c: {  	p2 =	seq.s32 s10, $0x1;
	s10 =	sld [smem:$0x3FB9]  }
0x3d: {  	_ =	shalt  }
0x3e: {  	_ =	shalt  }
0x3f: {  	_ =	shalt  }
0x40: {  	_ =	shalt  }
0x41: {  	_ =	shalt  }
0x42: {  	_ =	shalt  }
0x43: {  	_ =	shalt  }
0x44: {  	_ =	shalt  }
0x45: {  	_ =	shalt  }
0x46: {  	_ =	shalt  }
0x47: {  	_ =	shalt  }
0x48: {  	_ =	shalt  }
0x49: {  	_ =	shalt  }
0x4a: {  	_ =	shalt  }
0x4b: {  	_ =	shalt  }
0x4c: {  	_ =	shalt  }
0x4d: {  	_ =	shalt  }
0x4e: {  	_ =	shalt  }
0x4f: {  	_ =	shalt  }
0x50: {  	_ =	shalt  }
0x51: {  	_ =	shalt  }
0x52: {  	_ =	shalt  }
0x53: {  	_ =	shalt  }
0x54: {  	_ =	shalt  }
0x55: {  	_ =	shalt  }
0x56: {  	_ =	shalt  }
0x57: {  	_ =	shalt  }
0x58: {  	_ =	shalt  }
0x59: {  	_ =	shalt  }
0x5a: {  	_ =	shalt  }
0x5b: {  	_ =	shalt  }
0x5c: {  	_ =	shalt  }
0x5d: {  	_ =	shalt  }
0x5e: {  	_ =	shalt  }
0x5f: {  	_ =	shalt  }
0x60: {  	_ =	shalt  }
0x61: {  	_ =	shalt  }
0x62: {  	_ =	shalt  }
0x63: {  	_ =	shalt  }
0x64: {  	_ =	shalt  }
0x65: {  	_ =	shalt  }
0x66: {  	_ =	shalt  }
0x67: {  	_ =	shalt  }
0x68: {  	_ =	shalt  }
0x69: {  	_ =	shalt  }
0x6a: {  	_ =	shalt  }
0x6b: {  	_ =	shalt  }
0x6c: {  	_ =	shalt  }
0x6d: {  	_ =	shalt  }
0x6e: {  	_ =	shalt  }
0x6f: {  	_ =	shalt  }
0x70: {  	_ =	shalt  }
0x71: {  	_ =	shalt  }
0x72: {  	_ =	shalt  }
0x73: {  	_ =	shalt  }
0x74: {  	_ =	shalt  }
0x75: {  	_ =	shalt  }
0x76: {  	_ =	shalt  }
0x77: {  	_ =	shalt  }
0x78: {  	_ =	shalt  }
0x79: {  	_ =	shalt  }
0x7a: {  	_ =	shalt  }
0x7b: {  	_ =	shalt  }
0x7c: {  	_ =	shalt  }
0x7d: {  	_ =	shalt  }
0x7e: {  	_ =	shalt  }
0x7f: {  	_ =	shalt  }
0x80: {  	_ =	shalt  }
0x81: {  	_ =	shalt  }
0x82: {  	_ =	shalt  }
0x83: {  	_ =	shalt  }
0x84: {  	_ =	shalt  }
0x85: {  	_ =	shalt  }
0x86: {  	_ =	shalt  }
0x87: {  	_ =	shalt  }
.Lfunc_end0:
.L_simem_size_0:
called_computation.1_lowered:
.L_overlay_start_0:
0x88: {  	s2 =	sld [smem:$0x3FD9]  }
0x89: {  	s3 =	sld [smem:$0x3FFE];
	_ =	sdelay $0x1  }
0x8a: {  	s1 =	srdreg.scid  }
0x8b: {  	s0 =	sand.u32 $0x1, s1  }
0x8c: {  	s17 =	sshll.u32 s0, $0xA;
	s2 =	sadd.s32 s3, s2  }
0x8d: {  	s2 =	sadd.s32 s2, s17  }
0x8e: {  	[smem:$0x3FC5] =	sst s2  }
0x8f: {  	_ = 	snop  }
0x90: {  	s2 =	sld [smem:$0x3FD0];
	(tm) =	ssettm $0x1  }
0x91: {  	s18 =	sld [smem:$0x3FFB];
	_ =	sdelay $0x3  }
0x92: {  	_ =	strace s18  }
0x93: {  	s3 =	sld [smem:$0x3FFC];
	_ =	sdelay $0x3  }
0x94: {  	_ =	strace s3  }
0x95: {  	s3 =	sld [smem:$0x3FFD];
	_ =	sdelay $0x3  }
0x96: {  	_ =	strace s3  }
0x97: {  	_ =	strace $0x8FFFFFFF  }
0x98: {  	s19 =	sld [smem:$0x3FDB];
	_ =	sdelay $0x1  }
0x99: {  	s4 =	simm.s32 $_scs_section_size  }
0x9a: {  	s5 =	simm.s32 $_size__tile_overlayer_lowered;
	s6 =	simm.s32 $_tile_overlayer_lowered  }
0x9b: {  	s22 =	simm.s32 $0x1BFF;
	s21 =	sshll.u32 s6, $0x1;
	s3 =	sadd.s32 s4, s19  }
0x9c: {  	s7 =	simm.s32 $0x0;
	s20 =	sshll.u32 s5, $0x1;
	s5 =	sadd.s32 s21, s3  }
0x9d: {  	[timem:s7], [sflag:s22] =	dma.local [hbm:s5], s20  }
0x9e: {  	_ =	swait.ge [sflag:s22], s20  }
0x9f: {  	s4 =	ssub.s32 $0x0, s20;
	[sflag:s22] =	ssyncset.done $0x0  }
0xa0: {  	[sflag:s22] =	ssyncadd.s32 s4;
	_ =	sdelay $0x1  }
0xa1: {  	s23 =	simm.s32 $0x1B8B  }
0xa2: {  	_ =	swait.ge [sflag:s23], $0x1  }
0xa3: {  	[sflag:s23] =	ssyncset.done $0x0  }
0xa4: {  	s25 =	simm.s32 $0x1B8E;
	s24 =	sld [smem:$0x3FFE];
	[sflag:s23] =	ssyncadd.s32 $0xFFFFFFFF  }
0xa5: {  	s26 =	simm.s32 $execute0_lowered;
	[smem:$0x3FD2] =	sst s25  }
0xa6: {  	s5 =	sshll.u32 s26, $0x1;
	_ =	strace $0x80000046;
	[dreg:$0x1] =	wrdreg $0xFFFFFFFF  }
0xa7: {  	s28 =	simm.s32 $_size_execute0_lowered;
	s3 =	sadd.s32 s3, s5;
	[dreg:$0x0] =	wrdreg $0x0  }
0xa8: {  	s5 =	sshll.u32 s28, $0x1;
	[dreg:$0x2] =	wrdreg s3  }
0xa9: {  	[dreg:$0x3] =	wrdreg s5  }
0xaa: {  	[dreg:$0x4] =	wrdreg $0xC0  }
0xab: {  	_ =	task [dreg:s7], $0x5FFFF  }
0xac: {  	[dreg:$0x1] =	wrdreg $0xFFFFFFFF  }
0xad: {  	[dreg:$0x0] =	wrdreg $0x60  }
0xae: {  	[dreg:$0x2] =	wrdreg s24  }
0xaf: {  	[dreg:$0x3] =	wrdreg s2  }
0xb0: {  	[dreg:$0x4] =	wrdreg $0x9  }
0xb1: {  	_ =	task.clear_ibuf [dreg:s7], $0x5FFFF;
	_ =	strace $0x90000046  }
0xb2: {  	s29 =	simm.s32 $0x9;
	_ =	strace $0x80000048  }
0xb3: {  	_ =	swait.ge [sflag:s29], $0x1  }
0xb4: {  	[sflag:s29] =	ssyncadd.s32 $0xFFFFFFFF  }
0xb5: {  	_ =	strace $0x90000048  }
0xb6: {  	_ =	sfence  }
0xb7: {  	s30 =	sld [smem:$0x0];
	_ =	sdelay $0x2  }
0xb8: {  	s31 =	sshll.u32 s1, $0xD;
	s1 =	sshrl.u32 s1, $0x2  }
0xb9: {  	s3 =	sand.u32 $0x4000, s31;
	s1 =	sadd.s32 s1, s30  }
0xba: {  	s0 =	sor.u32 s3, s0;
	s1 =	sshll.u32 s1, $0x11  }
0xbb: {  	s0 =	sor.u32 s1, s0  }
0xbc: {  	s0 =	sadd.s32 $0x8F2B, s0  }
0xbd: {  	[sflag:s0] =	ssyncadd.remote.s32 $0x1  }
0xbe: {  	_ =	sfence.sel $0xFFFF  }
0xbf: {  	[dreg:$0x0] =	wrdreg $0xFFFFFFFF;
	(pc) =	sbr.abs _section_cstart, $3  }
0xc0: {  	[dreg:$0x1] =	wrdreg $0xFFFFFFFF  }
0xc1: {  	_ =	task.clear_ibuf [dreg:s7], $0x2FFFF;
	_ =	strace $0x9FFFFFFF  }
0xc2: {  	(tm) =	ssettm $0x7FFFFFFF  }
0xc3: {  	_ =	shalt  }
tec
execute0_lowered:
.L_overlay_start_1:
0x0: {  	(tag) =	ssettag $0x1  }
0x1: {  	s1 =	srdreg.scid  }
0x2: {  	s0 =	stileid.u32;
	s4 =	rddreg [dreg:$0x0]  }
0x3: {  	s7 =	rddreg [dreg:$0x1];
	s2 =	simm.s32 $0x0;
	s11 =	simm.s32 $0x40  }
0x4: {  	s12 =	simm.s32 $0x80;
	s13 =	simm.s32 $0x1900;
	s14 =	simm.s32 $0x2900  }
0x5: {  	s15 =	simm.s32 $0x3900;
	s16 =	simm.s32 $0x4900;
	s17 =	simm.s32 $0x5900  }
0x6: {  	s18 =	simm.s32 $0x6900;
	s19 =	simm.s32 $0x7900;
	s20 =	simm.s32 $0x8900  }
0x7: {  	s21 =	simm.s32 $0x9900;
	s22 =	simm.s32 $0xA900;
	s23 =	simm.s32 $0x1  }
0x8: {  	s5 =	sand.u32 $0x1, s1;
	s30 =	sshll.u32 s0, $0x1;
	s10 =	smul.u32 $0x19000, s0  }
0x9: {  	s24 =	simm.s32 $0x0;
	s1 =	sor.u32 s5, s30;
	s31 =	smul.u32 $0xC800, s5  }
0xa: {  	[smem:$0x7FF] =	sst s2;
	s8 =	ssub.s32 $0x2, s5;
	s3 =	smul.u32 $0x1900, s1  }
0xb: {  	s1 =	rddreg [dreg:$0x2];
	_ =	strace $0x80000047;
	s9 =	sshrl.u32 s8, $0x1  }
0xc: {  	s7 =	sadd.s32 s10, s7;
	s10 =	simm.s32 $0x20;
	s8 =	ssub.s32 s8, s9  }
0xd: {  	s7 =	sadd.s32 s31, s7;
	s9 =	simm.s32 $0xB900;
	s3 =	sshrl.u32 s3, $0x3  }
0xe: {  	s6 =	sadd.s32 s3, s4;
	s3 =	sadd.s32 $0xF43000, s4;
	s4 =	sadd.s32 $0x7000, s4  }
0xf: {  	s5 =	sadd.s32 $0xC00, s6;
	s6 =	smax.u32 s8, $0x1;
	s8 =	simm.s32 $0x2  }
.LBB2_1:
0x10: {  	[tilespmem:s2], [sflag:$0x2] =	stream.linear.gather [hbm4b:s5+s2], $0x1900, $0x38;
	[tilespmem:$0xD200] =	vst v63  }
0x11: {  	_ =	swait.ge [sflag:s8], $0x1900  }
0x12: {  	[sflag:s8] =	ssyncset.done $0x0  }
0x13: {  	[sflag:s8] =	ssyncadd.s32 $0xFFFFE700  }
0x14: {  	[tilespmem:s9], [sflag:$0x2] =	stream.linear.gather [hbm4b:s4+s2], $0x1900, $0x38;
	[tilespmem:$0xD200] =	vst v63  }
0x15: {  	_ =	swait.ge [sflag:s8], $0x1900  }
0x16: {  	[sflag:s8] =	ssyncset.done $0x0  }
0x17: {  	s25 =	simm.s32 $0x4;
	[sflag:s8] =	ssyncadd.s32 $0xFFFFE700  }
.LBB2_2:
0x18: {  	p0 =	sne.s32 s25, $0xC1C4  }
.Ltmp0:
0x19: {  	s26 =	sadd.s32 s25, s7;
	(pc) =	sbr.rel @p0 .LBB2_2-.Ltmp0, $4  }
0x1a: {  	[hbm4b:s26+s10] =	stream.strided.scatter [tilespmem:s9], [sflag:$0x2], $0x1900, s11, s10, $0x38;
	[tilespmem:$0xD200] =	vst v63  }
0x1b: {  	_ =	swait.ge [sflag:s8], $0x1900  }
0x1c: {  	[sflag:s8] =	ssyncset.done $0x0  }
0x1d: {  	s25 =	sadd.s32 $0x640, s25;
	[sflag:s8] =	ssyncadd.s32 $0xFFFFE700  }
0x1e: {  	s25 =	simm.s32 $0x0  }
0x1f: {  	[tilespmem:s13], [sflag:$0x1] =	stream.indirect.gather [hbm4b:s3+s12], $0x20, s25, s12, $0xb8;
	[tilespmem:$0xD200] =	vst v63  }
0x20: {  	s31 =	simm.s32 $0x80  }
0x21: {  	[tilespmem:s14], [sflag:$0x1] =	stream.indirect.gather [hbm4b:s3+s12], $0x20, s31, s12, $0xb8;
	[tilespmem:$0xD200] =	vst v63  }
0x22: {  	s26 =	simm.s32 $0x100  }
0x23: {  	[tilespmem:s15], [sflag:$0x1] =	stream.indirect.gather [hbm4b:s3+s12], $0x20, s26, s12, $0xb8;
	[tilespmem:$0xD200] =	vst v63  }
0x24: {  	s28 =	simm.s32 $0x180  }
0x25: {  	[tilespmem:s16], [sflag:$0x1] =	stream.indirect.gather [hbm4b:s3+s12], $0x20, s28, s12, $0xb8;
	[tilespmem:$0xD200] =	vst v63  }
0x26: {  	s30 =	simm.s32 $0x200  }
0x27: {  	[tilespmem:s17], [sflag:$0x1] =	stream.indirect.gather [hbm4b:s3+s12], $0x20, s30, s12, $0xb8;
	[tilespmem:$0xD200] =	vst v63  }
0x28: {  	s31 =	simm.s32 $0x280  }
0x29: {  	[tilespmem:s18], [sflag:$0x1] =	stream.indirect.gather [hbm4b:s3+s12], $0x20, s31, s12, $0xb8;
	[tilespmem:$0xD200] =	vst v63  }
0x2a: {  	s26 =	simm.s32 $0x300  }
0x2b: {  	[tilespmem:s19], [sflag:$0x1] =	stream.indirect.gather [hbm4b:s3+s12], $0x20, s26, s12, $0xb8;
	[tilespmem:$0xD200] =	vst v63  }
0x2c: {  	s28 =	simm.s32 $0x380  }
0x2d: {  	[tilespmem:s20], [sflag:$0x1] =	stream.indirect.gather [hbm4b:s3+s12], $0x20, s28, s12, $0xb8;
	[tilespmem:$0xD200] =	vst v63  }
0x2e: {  	s30 =	simm.s32 $0x400  }
0x2f: {  	[tilespmem:s21], [sflag:$0x1] =	stream.indirect.gather [hbm4b:s3+s12], $0x20, s30, s12, $0xb8;
	[tilespmem:$0xD200] =	vst v63  }
0x30: {  	s31 =	simm.s32 $0x480  }
0x31: {  	[tilespmem:s22], [sflag:$0x1] =	stream.indirect.gather [hbm4b:s3+s12], $0x20, s31, s12, $0xb8;
	[tilespmem:$0xD200] =	vst v63  }
0x32: {  	_ =	swait.ge [sflag:s23], $0x1000  }
0x33: {  	[sflag:s23] =	ssyncset.done $0x0  }
0x34: {  	[sflag:s23] =	ssyncadd.s32 $0xFFFFF000  }
0x35: {  	_ =	swait.ge [sflag:s23], $0x1000  }
0x36: {  	[sflag:s23] =	ssyncset.done $0x0  }
0x37: {  	[sflag:s23] =	ssyncadd.s32 $0xFFFFF000  }
0x38: {  	_ =	swait.ge [sflag:s23], $0x1000  }
0x39: {  	[sflag:s23] =	ssyncset.done $0x0  }
0x3a: {  	[sflag:s23] =	ssyncadd.s32 $0xFFFFF000  }
0x3b: {  	_ =	swait.ge [sflag:s23], $0x1000  }
0x3c: {  	[sflag:s23] =	ssyncset.done $0x0  }
0x3d: {  	[sflag:s23] =	ssyncadd.s32 $0xFFFFF000  }
0x3e: {  	_ =	swait.ge [sflag:s23], $0x1000  }
0x3f: {  	[sflag:s23] =	ssyncset.done $0x0  }
0x40: {  	[sflag:s23] =	ssyncadd.s32 $0xFFFFF000  }
0x41: {  	_ =	swait.ge [sflag:s23], $0x1000  }
0x42: {  	[sflag:s23] =	ssyncset.done $0x0  }
0x43: {  	[sflag:s23] =	ssyncadd.s32 $0xFFFFF000  }
0x44: {  	_ =	swait.ge [sflag:s23], $0x1000  }
0x45: {  	[sflag:s23] =	ssyncset.done $0x0  }
0x46: {  	[sflag:s23] =	ssyncadd.s32 $0xFFFFF000  }
0x47: {  	_ =	swait.ge [sflag:s23], $0x1000  }
0x48: {  	[sflag:s23] =	ssyncset.done $0x0  }
0x49: {  	[sflag:s23] =	ssyncadd.s32 $0xFFFFF000  }
0x4a: {  	_ =	swait.ge [sflag:s23], $0x1000  }
0x4b: {  	[sflag:s23] =	ssyncset.done $0x0  }
0x4c: {  	[sflag:s23] =	ssyncadd.s32 $0xFFFFF000  }
0x4d: {  	_ =	swait.ge [sflag:s23], $0x1000  }
0x4e: {  	[sflag:s23] =	ssyncset.done $0x0  }
0x4f: {  	[sflag:s23] =	ssyncadd.s32 $0xFFFFF000  }
0x50: {  	[hbm4b:s7+s10] =	stream.strided.scatter [tilespmem:s13], [sflag:$0x2], $0xA000, s11, s10, $0x38;
	[tilespmem:$0xD200] =	vst v63  }
0x51: {  	s29 =	simm.s32 $0x2800;
	_ =	swait.ge [sflag:s8], $0xA000  }
0x52: {  	s25 =	sadd.s32 $0x2800, s7;
	s26 =	simm.s32 $0x1400;
	[sflag:s8] =	ssyncset.done $0x0  }
.LBB2_4:
0x53: {  	s30 =	sshra.s32 s26, $0x2  }
0x54: {  	[sflag:s8] =	ssyncadd.s32 $0xFFFF6000;
	s26 =	smov.u32 s29;
	s28 =	sadd.s32 $0x1400, s29  }
0x55: {  	[tilespmem:s13], [sflag:$0x1] =	stream.indirect.gather [hbm4b:s3+s12], $0x20, s30, s12, $0xb8;
	[tilespmem:$0xD200] =	vst v63  }
0x56: {  	p0 =	sne.s32 s29, $0x5000;
	s29 =	sadd.s32 $0x80, s30  }
0x57: {  	[tilespmem:s14], [sflag:$0x1] =	stream.indirect.gather [hbm4b:s3+s12], $0x20, s29, s12, $0xb8;
	[tilespmem:$0xD200] =	vst v63  }
0x58: {  	s29 =	sadd.s32 $0x100, s30  }
0x59: {  	[tilespmem:s15], [sflag:$0x1] =	stream.indirect.gather [hbm4b:s3+s12], $0x20, s29, s12, $0xb8;
	[tilespmem:$0xD200] =	vst v63  }
0x5a: {  	s29 =	sadd.s32 $0x180, s30  }
0x5b: {  	[tilespmem:s16], [sflag:$0x1] =	stream.indirect.gather [hbm4b:s3+s12], $0x20, s29, s12, $0xb8;
	[tilespmem:$0xD200] =	vst v63  }
0x5c: {  	s29 =	sadd.s32 $0x200, s30  }
0x5d: {  	[tilespmem:s17], [sflag:$0x1] =	stream.indirect.gather [hbm4b:s3+s12], $0x20, s29, s12, $0xb8;
	[tilespmem:$0xD200] =	vst v63  }
0x5e: {  	s29 =	sadd.s32 $0x280, s30  }
0x5f: {  	[tilespmem:s18], [sflag:$0x1] =	stream.indirect.gather [hbm4b:s3+s12], $0x20, s29, s12, $0xb8;
	[tilespmem:$0xD200] =	vst v63  }
0x60: {  	s29 =	sadd.s32 $0x300, s30  }
0x61: {  	[tilespmem:s19], [sflag:$0x1] =	stream.indirect.gather [hbm4b:s3+s12], $0x20, s29, s12, $0xb8;
	[tilespmem:$0xD200] =	vst v63  }
0x62: {  	s29 =	sadd.s32 $0x380, s30  }
0x63: {  	[tilespmem:s20], [sflag:$0x1] =	stream.indirect.gather [hbm4b:s3+s12], $0x20, s29, s12, $0xb8;
	[tilespmem:$0xD200] =	vst v63  }
0x64: {  	s29 =	sadd.s32 $0x400, s30  }
0x65: {  	[tilespmem:s21], [sflag:$0x1] =	stream.indirect.gather [hbm4b:s3+s12], $0x20, s29, s12, $0xb8;
	[tilespmem:$0xD200] =	vst v63  }
0x66: {  	s29 =	sadd.s32 $0x480, s30  }
0x67: {  	[tilespmem:s22], [sflag:$0x1] =	stream.indirect.gather [hbm4b:s3+s12], $0x20, s29, s12, $0xb8;
	[tilespmem:$0xD200] =	vst v63  }
0x68: {  	_ =	swait.ge [sflag:s23], $0x1000  }
0x69: {  	[sflag:s23] =	ssyncset.done $0x0  }
0x6a: {  	[sflag:s23] =	ssyncadd.s32 $0xFFFFF000  }
0x6b: {  	_ =	swait.ge [sflag:s23], $0x1000  }
0x6c: {  	[sflag:s23] =	ssyncset.done $0x0  }
0x6d: {  	[sflag:s23] =	ssyncadd.s32 $0xFFFFF000  }
0x6e: {  	_ =	swait.ge [sflag:s23], $0x1000  }
0x6f: {  	[sflag:s23] =	ssyncset.done $0x0  }
0x70: {  	[sflag:s23] =	ssyncadd.s32 $0xFFFFF000  }
0x71: {  	_ =	swait.ge [sflag:s23], $0x1000  }
0x72: {  	[sflag:s23] =	ssyncset.done $0x0  }
0x73: {  	[sflag:s23] =	ssyncadd.s32 $0xFFFFF000  }
0x74: {  	_ =	swait.ge [sflag:s23], $0x1000  }
0x75: {  	[sflag:s23] =	ssyncset.done $0x0  }
0x76: {  	[sflag:s23] =	ssyncadd.s32 $0xFFFFF000  }
0x77: {  	_ =	swait.ge [sflag:s23], $0x1000  }
0x78: {  	[sflag:s23] =	ssyncset.done $0x0  }
0x79: {  	[sflag:s23] =	ssyncadd.s32 $0xFFFFF000  }
0x7a: {  	_ =	swait.ge [sflag:s23], $0x1000  }
0x7b: {  	[sflag:s23] =	ssyncset.done $0x0  }
0x7c: {  	[sflag:s23] =	ssyncadd.s32 $0xFFFFF000  }
0x7d: {  	_ =	swait.ge [sflag:s23], $0x1000  }
0x7e: {  	[sflag:s23] =	ssyncset.done $0x0  }
0x7f: {  	[sflag:s23] =	ssyncadd.s32 $0xFFFFF000  }
0x80: {  	_ =	swait.ge [sflag:s23], $0x1000  }
0x81: {  	[sflag:s23] =	ssyncset.done $0x0  }
0x82: {  	[sflag:s23] =	ssyncadd.s32 $0xFFFFF000  }
0x83: {  	_ =	swait.ge [sflag:s23], $0x1000  }
.Ltmp1:
0x84: {  	[sflag:s23] =	ssyncset.done $0x0;
	(pc) =	sbr.rel @p0 .LBB2_4-.Ltmp1, $4  }
0x85: {  	[sflag:s23] =	ssyncadd.s32 $0xFFFFF000  }
0x86: {  	[hbm4b:s25+s10] =	stream.strided.scatter [tilespmem:s13], [sflag:$0x2], $0xA000, s11, s10, $0x38;
	[tilespmem:$0xD200] =	vst v63  }
0x87: {  	_ =	swait.ge [sflag:s8], $0xA000  }
0x88: {  	s29 =	smov.u32 s28;
	s25 =	sadd.s32 $0x2800, s25;
	[sflag:s8] =	ssyncset.done $0x0  }
0x89: {  	s26 =	sshra.s32 s26, $0x2;
	[sflag:s8] =	ssyncadd.s32 $0xFFFF6000  }
0x8a: {  	[tilespmem:s13], [sflag:$0x1] =	stream.indirect.gather [hbm4b:s3+s12], $0x20, s26, s12, $0xb8;
	[tilespmem:$0xD200] =	vst v63  }
0x8b: {  	s28 =	sadd.s32 $0x80, s26  }
0x8c: {  	[tilespmem:s14], [sflag:$0x1] =	stream.indirect.gather [hbm4b:s3+s12], $0x20, s28, s12, $0xb8;
	[tilespmem:$0xD200] =	vst v63  }
0x8d: {  	s31 =	sadd.s32 $0x100, s26  }
0x8e: {  	[tilespmem:s15], [sflag:$0x1] =	stream.indirect.gather [hbm4b:s3+s12], $0x20, s31, s12, $0xb8;
	[tilespmem:$0xD200] =	vst v63  }
0x8f: {  	s29 =	sadd.s32 $0x180, s26  }
0x90: {  	[tilespmem:s16], [sflag:$0x1] =	stream.indirect.gather [hbm4b:s3+s12], $0x20, s29, s12, $0xb8;
	[tilespmem:$0xD200] =	vst v63  }
0x91: {  	s30 =	sadd.s32 $0x200, s26  }
0x92: {  	[tilespmem:s17], [sflag:$0x1] =	stream.indirect.gather [hbm4b:s3+s12], $0x20, s30, s12, $0xb8;
	[tilespmem:$0xD200] =	vst v63  }
0x93: {  	s31 =	sadd.s32 $0x280, s26  }
0x94: {  	[tilespmem:s18], [sflag:$0x1] =	stream.indirect.gather [hbm4b:s3+s12], $0x20, s31, s12, $0xb8;
	[tilespmem:$0xD200] =	vst v63  }
0x95: {  	s29 =	sadd.s32 $0x300, s26  }
0x96: {  	[tilespmem:s19], [sflag:$0x1] =	stream.indirect.gather [hbm4b:s3+s12], $0x20, s29, s12, $0xb8;
	[tilespmem:$0xD200] =	vst v63  }
0x97: {  	s30 =	sadd.s32 $0x380, s26  }
0x98: {  	[tilespmem:s20], [sflag:$0x1] =	stream.indirect.gather [hbm4b:s3+s12], $0x20, s30, s12, $0xb8;
	[tilespmem:$0xD200] =	vst v63  }
0x99: {  	s31 =	sadd.s32 $0x400, s26  }
0x9a: {  	[tilespmem:s21], [sflag:$0x1] =	stream.indirect.gather [hbm4b:s3+s12], $0x20, s31, s12, $0xb8;
	[tilespmem:$0xD200] =	vst v63  }
0x9b: {  	s26 =	sadd.s32 $0x480, s26  }
0x9c: {  	[tilespmem:s22], [sflag:$0x1] =	stream.indirect.gather [hbm4b:s3+s12], $0x20, s26, s12, $0xb8;
	[tilespmem:$0xD200] =	vst v63  }
0x9d: {  	_ =	swait.ge [sflag:s23], $0x1000  }
0x9e: {  	[sflag:s23] =	ssyncset.done $0x0  }
0x9f: {  	[sflag:s23] =	ssyncadd.s32 $0xFFFFF000  }
0xa0: {  	_ =	swait.ge [sflag:s23], $0x1000  }
0xa1: {  	[sflag:s23] =	ssyncset.done $0x0  }
0xa2: {  	[sflag:s23] =	ssyncadd.s32 $0xFFFFF000  }
0xa3: {  	_ =	swait.ge [sflag:s23], $0x1000  }
0xa4: {  	[sflag:s23] =	ssyncset.done $0x0  }
0xa5: {  	[sflag:s23] =	ssyncadd.s32 $0xFFFFF000  }
0xa6: {  	_ =	swait.ge [sflag:s23], $0x1000  }
0xa7: {  	[sflag:s23] =	ssyncset.done $0x0  }
0xa8: {  	[sflag:s23] =	ssyncadd.s32 $0xFFFFF000  }
0xa9: {  	_ =	swait.ge [sflag:s23], $0x1000  }
0xaa: {  	[sflag:s23] =	ssyncset.done $0x0  }
0xab: {  	[sflag:s23] =	ssyncadd.s32 $0xFFFFF000  }
0xac: {  	_ =	swait.ge [sflag:s23], $0x1000  }
0xad: {  	[sflag:s23] =	ssyncset.done $0x0  }
0xae: {  	[sflag:s23] =	ssyncadd.s32 $0xFFFFF000  }
0xaf: {  	_ =	swait.ge [sflag:s23], $0x1000  }
0xb0: {  	[sflag:s23] =	ssyncset.done $0x0  }
0xb1: {  	[sflag:s23] =	ssyncadd.s32 $0xFFFFF000  }
0xb2: {  	_ =	swait.ge [sflag:s23], $0x1000  }
0xb3: {  	[sflag:s23] =	ssyncset.done $0x0  }
0xb4: {  	[sflag:s23] =	ssyncadd.s32 $0xFFFFF000  }
0xb5: {  	_ =	swait.ge [sflag:s23], $0x1000  }
0xb6: {  	[sflag:s23] =	ssyncset.done $0x0  }
0xb7: {  	[sflag:s23] =	ssyncadd.s32 $0xFFFFF000  }
0xb8: {  	s24 =	sadd.s32 $0x1, s24;
	_ =	swait.ge [sflag:s23], $0x1000  }
0xb9: {  	p0 =	sne.s32 s24, s6;
	[sflag:s23] =	ssyncset.done $0x0  }
.Ltmp2:
0xba: {  	[sflag:s23] =	ssyncadd.s32 $0xFFFFF000;
	(pc) =	sbr.rel @p0 .LBB2_1-.Ltmp2, $4  }
0xbb: {  	[hbm4b:s25+s10] =	stream.strided.scatter [tilespmem:s13], [sflag:$0x2], $0xA000, s11, s10, $0x38;
	[tilespmem:$0xD200] =	vst v63  }
0xbc: {  	_ =	swait.ge [sflag:s8], $0xA000  }
0xbd: {  	[sflag:s8] =	ssyncset.done $0x0  }
0xbe: {  	[sflag:s8] =	ssyncadd.s32 $0xFFFF6000  }
0xbf: {  	_ =	sfence.sel $0x180000  }
0xc0: {  	[bflag:$0x0] =	sbarrier.arrive $0xFFFF  }
0xc1: {  	p0 =	sne.s32 s0, $0x0;
	_ =	strace $0x90000047  }
0xc2: {  	s0 =	sadd.s32 @!p0 $0x100000, s1;
	[bflag:$0x2] =	sbarrier.arrive $0xFFFF  }
0xc3: {  	[sflag:s0] =	ssyncadd.tile.s32 @!p0 $0x1;
	_ =	shalt  }
.Lfunc_end2:
_tile_overlayer_lowered:
.L_overlay_start_2:
0xc4: {  	(tag) =	ssettag $0x2  }
0xc5: {  	s0 =	rddreg [dreg:$0x0];
	s2 =	stileid.u32  }
0xc6: {  	s1 =	rddreg [dreg:$0x1];
	p0 =	sne.s32 s2, $0x0  }
0xc7: {  	s3 =	rddreg [dreg:$0x2];
	[bflag:$0x3] =	sbarrier.arrive $0xFFFF;
	s2 =	simm.s32 @!p0 $0x1C02  }
0xc8: {  	[timem:s3], [sflag:s2] =	dma.local @!p0 [hbm:s0], s1  }
0xc9: {  	s0 =	simm.s32 @!p0 $0x2  }
0xca: {  	_ =	swait.ge @!p0 [sflag:s0], s1  }
0xcb: {  	s1 =	ssub.s32 @!p0 $0x0, s1;
	[sflag:s0] =	ssyncset.done @!p0 $0x0  }
0xcc: {  	[sflag:s0] =	ssyncadd.s32 @!p0 s1  }
0xcd: {  	[bflag:$0x3] =	sbarrier.arrive $0xFFFF  }
0xce: {  	_ =	shalt  }

// kernel: sparse-core-data-format-call.cloned.1.call-start
scs
called_computation_lowered:
.L_overlay_start_0:
0x0: {  	s2 =	sld [smem:$0x3FD9]  }
0x1: {  	s3 =	sld [smem:$0x3FFE];
	_ =	sdelay $0x1  }
0x2: {  	s1 =	srdreg.scid  }
0x3: {  	s0 =	sand.u32 $0x1, s1  }
0x4: {  	s18 =	sshll.u32 s0, $0xA;
	s2 =	sadd.s32 s3, s2  }
0x5: {  	s2 =	sadd.s32 s2, s18  }
0x6: {  	[smem:$0x3FC5] =	sst s2  }
0x7: {  	_ = 	snop  }
0x8: {  	s2 =	sld [smem:$0x3FD0];
	(tm) =	ssettm $0x1  }
0x9: {  	s19 =	sld [smem:$0x3FFB];
	_ =	sdelay $0x3  }
0xa: {  	_ =	strace s19  }
0xb: {  	s3 =	sld [smem:$0x3FFC];
	_ =	sdelay $0x3  }
0xc: {  	_ =	strace s3  }
0xd: {  	s3 =	sld [smem:$0x3FFD];
	_ =	sdelay $0x3  }
0xe: {  	_ =	strace s3  }
0xf: {  	_ =	strace $0x8FFFFFFF  }
0x10: {  	s20 =	sld [smem:$0x3FDB];
	_ =	sdelay $0x1  }
0x11: {  	s4 =	simm.s32 $_scs_section_size  }
0x12: {  	s5 =	simm.s32 $_size__tile_overlayer_lowered;
	s6 =	simm.s32 $_tile_overlayer_lowered  }
0x13: {  	s23 =	simm.s32 $0x1BFF;
	s22 =	sshll.u32 s6, $0x1;
	s3 =	sadd.s32 s4, s20  }
0x14: {  	s7 =	simm.s32 $0x0;
	s21 =	sshll.u32 s5, $0x1;
	s5 =	sadd.s32 s22, s3  }
0x15: {  	[timem:s7], [sflag:s23] =	dma.local [hbm:s5], s21  }
0x16: {  	_ =	swait.ge [sflag:s23], s21  }
0x17: {  	s4 =	ssub.s32 $0x0, s21;
	[sflag:s23] =	ssyncset.done $0x0  }
0x18: {  	[sflag:s23] =	ssyncadd.s32 s4;
	_ =	sdelay $0x1  }
0x19: {  	s24 =	simm.s32 $0x1B8B  }
0x1a: {  	_ =	swait.ge [sflag:s24], $0x1  }
0x1b: {  	[sflag:s24] =	ssyncset.done $0x0  }
0x1c: {  	s26 =	simm.s32 $0x1B8E;
	s25 =	sld [smem:$0x3FFE];
	[sflag:s24] =	ssyncadd.s32 $0xFFFFFFFF  }
0x1d: {  	s27 =	simm.s32 $execute0_lowered;
	[smem:$0x3FD2] =	sst s26  }
0x1e: {  	s5 =	sshll.u32 s27, $0x1;
	_ =	strace $0x80000049;
	[dreg:$0x1] =	wrdreg $0xFFFFFFFF  }
0x1f: {  	s28 =	simm.s32 $_size_execute0_lowered;
	s3 =	sadd.s32 s3, s5;
	[dreg:$0x0] =	wrdreg $0x0  }
0x20: {  	s5 =	sshll.u32 s28, $0x1;
	[dreg:$0x2] =	wrdreg s3  }
0x21: {  	[dreg:$0x3] =	wrdreg s5  }
0x22: {  	[dreg:$0x4] =	wrdreg $0xC0  }
0x23: {  	_ =	task [dreg:s7], $0x5FFFF  }
0x24: {  	[dreg:$0x1] =	wrdreg $0xFFFFFFFF  }
0x25: {  	[dreg:$0x0] =	wrdreg $0x60  }
0x26: {  	[dreg:$0x2] =	wrdreg s25  }
0x27: {  	[dreg:$0x3] =	wrdreg s2  }
0x28: {  	[dreg:$0x4] =	wrdreg $0x9  }
0x29: {  	_ =	task.clear_ibuf [dreg:s7], $0x5FFFF;
	_ =	strace $0x90000049  }
0x2a: {  	s29 =	simm.s32 $0x9;
	_ =	strace $0x8000004B  }
0x2b: {  	_ =	swait.ge [sflag:s29], $0x1  }
0x2c: {  	[sflag:s29] =	ssyncadd.s32 $0xFFFFFFFF  }
0x2d: {  	_ =	strace $0x9000004B  }
0x2e: {  	_ =	sfence  }
0x2f: {  	s30 =	sld [smem:$0x0];
	_ =	sdelay $0x2  }
0x30: {  	s31 =	sshll.u32 s1, $0xD;
	s1 =	sshrl.u32 s1, $0x2  }
0x31: {  	s3 =	sand.u32 $0x4000, s31;
	s1 =	sadd.s32 s1, s30  }
0x32: {  	s0 =	sor.u32 s3, s0;
	s1 =	sshll.u32 s1, $0x11  }
0x33: {  	s0 =	sor.u32 s1, s0  }
0x34: {  	s0 =	sadd.s32 $0x8F2B, s0  }
0x35: {  	[sflag:s0] =	ssyncadd.remote.s32 $0x1  }
0x36: {  	_ =	sfence.sel $0xFFFF  }
0x37: {  	[dreg:$0x0] =	wrdreg $0xFFFFFFFF;
	(pc) =	sbr.abs _section_cstart, $3  }
0x38: {  	[dreg:$0x1] =	wrdreg $0xFFFFFFFF  }
0x39: {  	_ =	task.clear_ibuf [dreg:s7], $0x2FFFF;
	_ =	strace $0x9FFFFFFF  }
0x3a: {  	(tm) =	ssettm $0x7FFFFFFF  }
0x3b: {  	_ =	shalt  }
tec
execute0_lowered:
.L_overlay_start_1:
0x0: {  	(tag) =	ssettag $0x1  }
0x1: {  	s0 =	stileid.u32;
	s6 =	rddreg [dreg:$0x0]  }
0x2: {  	s2 =	rddreg [dreg:$0x1];
	s5 =	srdreg.scid  }
0x3: {  	s31 =	simm.s32 $0x2;
	s13 =	simm.s32 $0x0;
	s1 =	sshll.u32 s0, $0x7  }
0x4: {  	s14 =	simm.s32 $0x0;
	s12 =	simm.s32 $0x0;
	s3 =	sand.u32 $0x380, s1  }
0x5: {  	s5 =	sshll.u32 s5, $0x4;
	s6 =	sadd.s32 $0xC00, s6;
	s4 =	ssub.s32 $0x400, s3  }
0x6: {  	s1 =	rddreg [dreg:$0x2];
	_ =	strace $0x8000004A;
	s7 =	sand.u32 $0x380, s4  }
0x7: {  	s5 =	sand.u32 $0x10, s5;
	p0 =	sne.s32 s7, $0x0;
	s7 =	simm.s32 $0x1  }
.Ltmp0:
0x8: {  	s8 =	sshrl.u32 s4, $0xA;
	s7 =	simm.s32 @!p0 $0x0;
	(pc) =	sbr.rel .LBB1_1-.Ltmp0, $4  }
0x9: {  	s9 =	sor.u32 s0, s5;
	s4 =	simm.s32 $0x1;
	s30 =	sadd.s32 s7, s8  }
0xa: {  	s11 =	smov.u32 s3;
	[sflag:s4] =	ssyncpa.u1 $0x0;
	s5 =	smul.u32 $0x32, s30  }
0xb: {  	[sflag:s31] =	ssyncpa.u1 $0x0;
	p0 =	por $0x0, $0x0;
	s7 =	sshrl.u32 s9, $0x3  }
0xc: {  	s9 =	simm.s32 $0x2000;
	s10 =	smov.u32 s7;
	s8 =	sor.u32 $0x1, s5  }
.LBB1_4:
0xd: {  	s17 =	sand.u32 $0x1F80, s14;
	s13 =	sshll.u32 s13, $0xD  }
0xe: {  	[tilespmem:s16+$0x810 ss:$0x81] =	vst.msk $0xffff, v2;
	s18 =	sshrl.u32 s14, $0x3;
	s31 =	sand.u32 $0x7, s14;
	s17 =	sadd.s32 s2, s17  }
0xf: {  	[tilespmem:s16+$0x1020 ss:$0x81] =	vst.msk $0xffff, v0;
	s18 =	sand.u32 $0xF, s18;
	s14 =	sshll.u32 s31, $0x12;
	s13 =	sadd.s32 s13, s17  }
0x10: {  	[tilespmem:s16+$0x0 ss:$0x81] =	vst.msk $0xffff, v1;
	s14 =	sor.u32 $0x400, s14;
	s13 =	sadd.s32 s18, s13  }
0x11: {  	[hbm4b:s13+s14] =	stream.strided.scatter [tilespmem:s15], [sflag:$0x2], $0x2000, s9, s14, $0x20;
	[tilespmem:$0x8080] =	vst v63  }
.LBB1_5:
0x12: {  	s15 =	sadd.s32 $0x4, s10  }
0x13: {  	s13 =	sadd.s32 $0x400, s11;
	s17 =	smov.u32 s11;
	p2 =	sgt.s32 s15, $0xC7  }
0x14: {  	s17 =	smov.u32 @p2 s13  }
0x15: {  	s15 =	smov.u32 @p2 s7;
	p2 =	sgt.s32 s17, $0x3FF  }
0x16: {  	s17 =	smov.u32 @p2 s3;
	p2 =	sne.s32 s12, s8  }
.Ltmp1:
0x17: {  	p1 =	slt.u32 s12, $0x2;
	(pc) =	sbr.rel @!p2 .LBB1_6-.Ltmp1, $4  }
0x18: {  	s16 =	simm.s32 @!p1 $0x2  }
0x19: {  	s14 =	smov.u32 s11;
	p0 =	por !p0, !p0;
	_ =	swait.ge @!p1 [sflag:s16], $0x2000  }
0x1a: {  	s13 =	smov.u32 s10;
	[sflag:s16] =	ssyncset.done @!p1 $0x0;
	s10 =	smov.u32 s15  }
0x1b: {  	s12 =	sadd.s32 $0x1, s12;
	[sflag:s16] =	ssyncadd.s32 @!p1 $0xFFFFE000;
	s11 =	smov.u32 s17  }
.LBB1_1:
0x1c: {  	p1 =	sge.u32 s12, s5  }
0x1d: {  	s15 =	sand.u32 @!p1 $0x1FFFFFF, s10  }
0x1e: {  	s16 =	smulhi.u32 @!p1 $0x147AE15, s15;
	_ =	sdelay $0x1  }
0x1f: {  	s16 =	smul.u32 @!p1 $0xC8, s16  }
0x20: {  	s17 =	sxor.u32 @!p1 $0xFFFFFFFF, s12;
	s18 =	smul.u32 @!p1 $0xC80, s11  }
0x21: {  	s31 =	sadd.s32 $0xFFFFFFFF, s12;
	s17 =	sshll.u32 @!p1 s17, $0xD;
	s15 =	ssub.s32 @!p1 s15, s16  }
0x22: {  	s16 =	sand.u32 @!p1 $0x2000, s17;
	s17 =	sadd.s32 @!p1 s6, s18;
	s15 =	sshll.u32 @!p1 s15, $0x4  }
0x23: {  	s18 =	simm.s32 @!p1 $0x6400;
	s15 =	sadd.s32 @!p1 s15, s17;
	s17 =	simm.s32 @!p1 $0x40  }
0x24: {  	[tilespmem:s16], [sflag:$0x1] =	stream.strided.gather @!p1 [hbm4b:s15+s17], $0x2000, s18, s17, $0x38;
	[tilespmem:$0x8080] =	vst v63  }
0x25: {  	p1 =	sge.u32 s31, s5  }
.Ltmp2:
0x26: {  	_ = 	snop;
	(pc) =	sbr.rel @p1 .LBB1_5-.Ltmp2, $1  }
0x27: {  	_ =	sdelay $0x3  }
0x28: {  	s15 =	simm.s32 $0x1  }
0x29: {  	_ =	swait.ge [sflag:s4], $0x2000;
	s15 =	simm.s32 @!p0 $0x0  }
0x2a: {  	[sflag:s4] =	ssyncset.done $0x0;
	s16 =	sshll.u32 s15, $0xD  }
0x2b: {  	[sflag:s4] =	ssyncadd.s32 $0xFFFFE000;
	s19 =	sor.u32 $0x20, s16  }
0x2c: {  	s15 =	smul.u32 $0x8100, s15;
	v3 =	vld [tilespmem:s19+$0x10]  }
0x2d: {  	s30 =	sand.u32 $0x1, s12;
	v2 =	vld [tilespmem:s19+$0xFFFFFFF0]  }
0x2e: {  	s16 =	smul.u32 $0x8100, s30;
	s15 =	sshrl.u32 s15, $0x2;
	v0 =	vld [tilespmem:s19+$0x0]  }
0x2f: {  	v1 =	vld [tilespmem:s19+$0xFFFFFFE0];
	s17 =	sor.u32 $0x4000, s15  }
0x30: {  	s31 =	sshrl.u32 s16, $0x2;
	s16 =	sadd.s32 $0x0, s17  }
0x31: {  	s18 =	simm.s32 $0x4;
	s19 =	sadd.s32 $0x40, s19;
	s15 =	sor.u32 $0x4000, s31;
	[tilespmem:s16+$0x1830 ss:$0x81] =	vst.msk $0xffff, v3  }
.LBB1_3:
0x32: {  	v3 =	vld [tilespmem:s19+$0x10];
	p1 =	sne.s32 s18, $0x1FC;
	[tilespmem:s16+$0x810 ss:$0x81] =	vst.msk $0xffff, v2;
	s20 =	smov.u32 s18;
	s18 =	sadd.s32 $0x4, s18  }
.Ltmp3:
0x33: {  	v2 =	vld [tilespmem:s19+$0xFFFFFFF0];
	[tilespmem:s16+$0x1020 ss:$0x81] =	vst.msk $0xffff, v0;
	(pc) =	sbr.rel @p1 .LBB1_3-.Ltmp3, $4  }
0x34: {  	v0 =	vld [tilespmem:s19+$0x0];
	[tilespmem:s16+$0x0 ss:$0x81] =	vst.msk $0xffff, v1  }
0x35: {  	s16 =	sshra.s32 s20, $0x2;
	v1 =	vld [tilespmem:s19+$0xFFFFFFE0]  }
0x36: {  	s16 =	sadd.s32 s16, s17  }
0x37: {  	s19 =	sadd.s32 $0x40, s19;
	[tilespmem:s16+$0x1830 ss:$0x81] =	vst.msk $0xffff, v3  }
.Ltmp4:
0x38: {  	_ = 	snop;
	(pc) =	sbr.rel .LBB1_4-.Ltmp4, $1  }
0x39: {  	_ =	sdelay $0x3  }
.LBB1_6:
0x3a: {  	_ =	sfence.sel $0x180000  }
0x3b: {  	s2 =	simm.s32 $0x1;
	[bflag:$0x0] =	sbarrier.arrive $0xFFFF  }
0x3c: {  	s31 =	simm.s32 $0x2;
	[sflag:s2] =	ssyncpa.u1 $0x1  }
0x3d: {  	[sflag:s31] =	ssyncpa.u1 $0x1  }
0x3e: {  	p0 =	sne.s32 s0, $0x0;
	_ =	strace $0x9000004A  }
0x3f: {  	s0 =	sadd.s32 @!p0 $0x100000, s1;
	[bflag:$0x2] =	sbarrier.arrive $0xFFFF  }
0x40: {  	[sflag:s0] =	ssyncadd.tile.s32 @!p0 $0x1;
	_ =	shalt  }
.Lfunc_end1:
_tile_overlayer_lowered:
.L_overlay_start_2:
0x41: {  	(tag) =	ssettag $0x2  }
0x42: {  	s0 =	rddreg [dreg:$0x0];
	s2 =	stileid.u32  }
0x43: {  	s1 =	rddreg [dreg:$0x1];
	p0 =	sne.s32 s2, $0x0  }
0x44: {  	s3 =	rddreg [dreg:$0x2];
	[bflag:$0x3] =	sbarrier.arrive $0xFFFF;
	s2 =	simm.s32 @!p0 $0x1C01  }
0x45: {  	[timem:s3], [sflag:s2] =	dma.local @!p0 [hbm:s0], s1  }
0x46: {  	s0 =	simm.s32 @!p0 $0x1  }
0x47: {  	_ =	swait.ge @!p0 [sflag:s0], s1  }
0x48: {  	s1 =	ssub.s32 @!p0 $0x0, s1;
	[sflag:s0] =	ssyncset.done @!p0 $0x0  }
0x49: {  	[sflag:s0] =	ssyncadd.s32 @!p0 s1  }
0x4a: {  	[bflag:$0x3] =	sbarrier.arrive $0xFFFF  }
0x4b: {  	_ =	shalt  }

</sc_bundles>
